<compile_context>
chip_gen: v7x
topology: tpu7x:2x2x1
jax: 0.10.2.dev20260603
libtpu: 0.0.44.dev20260713+nightly
codegen_flags: <defaults>
</compile_context>

<pallas_src>
import functools

import jax
import jax.numpy as jnp
from jax import lax
from jax.experimental import pallas as pl
from jax.experimental.pallas import tpu as pltpu
from jax.experimental.pallas import tpu_sc as plsc

B = 4096
N = 100000
NC, NS = 2, 16
NW = NC * NS
BPW = B // NW
L = 16
BM = 512
MIU = 3.5


@functools.lru_cache(maxsize=1)
def _make_sc_gather():
    mesh = plsc.VectorSubcoreMesh(core_axis_name="c", subcore_axis_name="s")
    f32 = jnp.float32
    i32 = jnp.int32

    @functools.partial(
        pl.kernel,
        mesh=mesh,
        compiler_params=pltpu.CompilerParams(use_tc_tiling_on_sc=False),
        out_type=tuple(jax.ShapeDtypeStruct((B,), f32) for _ in range(5)),
        scratch_types=(
            pltpu.VMEM((BPW,), i32),
            pltpu.VMEM((BPW,), i32),
            pltpu.VMEM((BPW,), i32),
            pltpu.VMEM((BPW,), i32),
            pltpu.VMEM((BPW,), f32),
            pltpu.VMEM((BPW,), f32),
            pltpu.VMEM((BPW,), f32),
            pltpu.VMEM((BPW,), f32),
            pltpu.VMEM((BPW,), f32),
            pltpu.VMEM((BPW,), f32),
            pltpu.VMEM((BPW,), f32),
            pltpu.SemaphoreType.DMA,
        ),
    )
    def _sc_gather(x_hbm, y_hbm, utf, vtf, bu1, bi1,
                   u0_out, u1_out, v0_out, v1_out, c_out,
                   xv, yv, xh, yh,
                   u0v, u1v, v0v, v1v, buv, biv, cv, sem):
        wid = lax.axis_index("s") * NC + lax.axis_index("c")
        base = wid * BPW
        pltpu.sync_copy(x_hbm.at[pl.ds(base, BPW)], xv)
        pltpu.sync_copy(y_hbm.at[pl.ds(base, BPW)], yv)

        for k in range(BPW // L):
            sl = pl.ds(k * L, L)
            xh[sl] = xv[sl] + N
            yh[sl] = yv[sl] + N

        copies = [
            pltpu.async_copy(utf.at[xv], u0v, sem),
            pltpu.async_copy(utf.at[xh], u1v, sem),
            pltpu.async_copy(vtf.at[yv], v0v, sem),
            pltpu.async_copy(vtf.at[yh], v1v, sem),
            pltpu.async_copy(bu1.at[xv], buv, sem),
            pltpu.async_copy(bi1.at[yv], biv, sem),
        ]
        for cp in copies:
            cp.wait()

        for k in range(BPW // L):
            sl = pl.ds(k * L, L)
            cv[sl] = buv[sl] + biv[sl] + MIU

        osl = pl.ds(base, BPW)
        pltpu.sync_copy(u0v, u0_out.at[osl])
        pltpu.sync_copy(u1v, u1_out.at[osl])
        pltpu.sync_copy(v0v, v0_out.at[osl])
        pltpu.sync_copy(v1v, v1_out.at[osl])
        pltpu.sync_copy(cv, c_out.at[osl])

    return _sc_gather


def _dense_body(ua_ref, va_ref, c_ref, o_ref):
    o_ref[...] = jax.lax.dot_general(
        ua_ref[...], va_ref[...],
        dimension_numbers=(((1,), (0,)), ((), ())),
        preferred_element_type=jnp.float32,
    ) + c_ref[...]


def _dense(ua, va, c, interpret=False):
    return pl.pallas_call(
        _dense_body,
        grid=(B // BM,),
        in_specs=[
            pl.BlockSpec((BM, 2), lambda i: (i, 0)),
            pl.BlockSpec((2, B), lambda i: (0, 0)),
            pl.BlockSpec((BM, 1), lambda i: (i, 0)),
        ],
        out_specs=pl.BlockSpec((BM, B), lambda i: (i, 0)),
        out_shape=jax.ShapeDtypeStruct((B, B), jnp.float32),
        interpret=interpret,
    )(ua, va, c)


def kernel(x, y, user, item, b_u, b_i):
    x = x.astype(jnp.int32)
    y = y.astype(jnp.int32)
    utf = user.T.reshape(-1)
    vtf = item.T.reshape(-1)
    bu1 = b_u[:, 0]
    bi1 = b_i[:, 0]
    u0, u1, v0, v1, c = _make_sc_gather()(x, y, utf, vtf, bu1, bi1)
    ua = jnp.stack([u0, u1], axis=1)
    va = jnp.stack([v0, v1])
    return _dense(ua, va, c[:, None])

# --- scband reference (transcript-rebuilt; emitter-appended) ---
"""Pipeline reference for scband-mf-88691074662924 (READ-ONLY COPY).

The authoritative reference and input builder live on the scoring server;
editing this copy changes nothing except your own understanding.
"""

import jax, jax.numpy as jnp
import numpy as np


def setup_inputs(seed: int = 0) -> dict:
    key = jax.random.key(seed)
    k1, k2, k3, k4, k5, k6 = jax.random.split(key, 6)
    x = jax.random.randint(k1, (4096,), 0, 100000)
    y = jax.random.randint(k2, (4096,), 0, 100000)
    user = jax.random.normal(k3, (100000, 2), dtype=jnp.float32) * 0.01
    item = jax.random.normal(k4, (100000, 2), dtype=jnp.float32) * 0.01
    b_u = jax.random.normal(k5, (100000, 1), dtype=jnp.float32) * 0.01
    b_i = jax.random.normal(k6, (100000, 1), dtype=jnp.float32) * 0.01
    return {"x": x, "y": y, "user": user, "item": item, "b_u": b_u, "b_i": b_i}


def reference(x, y, user, item, b_u, b_i):
    miu = 3.5
    u = jnp.take(user, x, axis=0)          # [B, 2]
    v = jnp.take(item, y, axis=0)          # [B, 2]
    bu = jnp.take(b_u, x, axis=0)          # [B, 1]
    bi = jnp.take(b_i, y, axis=0)          # [B, 1]
    # Faithful to torch broadcasting: both bias terms are [B,1] and broadcast
    # across columns of the [B,B] rating matrix (indexed by row position).
    rating = jnp.matmul(u, v.T) + bu + bi + miu
    return rating

if __name__ == "__main__":
    import jax
    _d = setup_inputs()
    print(jax.jit(kernel)(*tuple(_d.values())))

</pallas_src>

<mosaic_0001>
#map = affine_map<(d0, d1) -> (0)>
module attributes {stable_mosaic.version = 14 : i64} {
  func.func @_sc_gather(%arg0: i32, %arg1: i32, %arg2: memref<4096xi32, #tpu.memory_space<hbm>>, %arg3: memref<4096xi32, #tpu.memory_space<hbm>>, %arg4: memref<200000xf32, #tpu.memory_space<hbm>>, %arg5: memref<200000xf32, #tpu.memory_space<hbm>>, %arg6: memref<100000xf32, #tpu.memory_space<hbm>>, %arg7: memref<100000xf32, #tpu.memory_space<hbm>>, %arg8: memref<4096xf32, #tpu.memory_space<hbm>>, %arg9: memref<4096xf32, #tpu.memory_space<hbm>>, %arg10: memref<4096xf32, #tpu.memory_space<hbm>>, %arg11: memref<4096xf32, #tpu.memory_space<hbm>>, %arg12: memref<4096xf32, #tpu.memory_space<hbm>>, %arg13: memref<128xi32, #tpu.memory_space<vmem>>, %arg14: memref<128xi32, #tpu.memory_space<vmem>>, %arg15: memref<128xi32, #tpu.memory_space<vmem>>, %arg16: memref<128xi32, #tpu.memory_space<vmem>>, %arg17: memref<128xf32, #tpu.memory_space<vmem>>, %arg18: memref<128xf32, #tpu.memory_space<vmem>>, %arg19: memref<128xf32, #tpu.memory_space<vmem>>, %arg20: memref<128xf32, #tpu.memory_space<vmem>>, %arg21: memref<128xf32, #tpu.memory_space<vmem>>, %arg22: memref<128xf32, #tpu.memory_space<vmem>>, %arg23: memref<128xf32, #tpu.memory_space<vmem>>, %arg24: memref<!tpu.dma_semaphore, #tpu.memory_space<semaphore_mem>>) attributes {dimension_semantics = [#tpu.dimension_semantics<core_parallel>, #tpu.dimension_semantics<subcore_parallel>], iteration_bounds = array<i64: 2, 16>, scalar_prefetch = 0 : i64, scratch_operands = 12 : i64, tpu.core_type = #tpu.core_type<sc_vector_subcore>, window_params = [{transform_indices = #map}, {transform_indices = #map}, {transform_indices = #map}, {transform_indices = #map}, {transform_indices = #map}, {transform_indices = #map}, {transform_indices = #map}, {transform_indices = #map}, {transform_indices = #map}, {transform_indices = #map}, {transform_indices = #map}]} {
    %mul3A = arith.constant 2 : i32
    %mul3A_0 = arith.muli %arg1, %mul3A : i32
    %add3A = arith.addi %mul3A_0, %arg0 : i32
    %mul3A_1 = arith.constant 128 : i32
    %mul3A_2 = arith.muli %add3A, %mul3A_1 : i32
    "tpu.region"() ({
      %run_scoped3A = tpu.sem_alloc : memref<!tpu.dma_semaphore, #tpu.memory_space<semaphore_mem>>
      %dma_start3A_295 = tpu.memref_slice %arg2[%mul3A_2] : memref<4096xi32, #tpu.memory_space<hbm>> -> memref<128xi32, #tpu.memory_space<hbm>>
      %dma_start3A_296 = tpu.memref_slice %arg2[%mul3A_2] : memref<4096xi32, #tpu.memory_space<hbm>> -> memref<128xi32, #tpu.memory_space<hbm>>
      tpu.enqueue_dma source(%dma_start3A_296 : memref<128xi32, #tpu.memory_space<hbm>>) target(%arg13 : memref<128xi32, #tpu.memory_space<vmem>>) target_semaphore(%run_scoped3A : memref<!tpu.dma_semaphore, #tpu.memory_space<semaphore_mem>>)
      %dma_wait3A_297 = tpu.memref_slice %arg2[%mul3A_2] : memref<4096xi32, #tpu.memory_space<hbm>> -> memref<128xi32, #tpu.memory_space<hbm>>
      %dma_wait3A_298 = tpu.memref_slice %arg2[%mul3A_2] : memref<4096xi32, #tpu.memory_space<hbm>> -> memref<128xi32, #tpu.memory_space<hbm>>
      tpu.wait_dma2 semaphore(%run_scoped3A : memref<!tpu.dma_semaphore, #tpu.memory_space<semaphore_mem>>) src(%dma_wait3A_298 : memref<128xi32, #tpu.memory_space<hbm>>) dst(%arg13 : memref<128xi32, #tpu.memory_space<vmem>>)
      tpu.yield
    }) : () -> ()
    "tpu.region"() ({
      %run_scoped3A = tpu.sem_alloc : memref<!tpu.dma_semaphore, #tpu.memory_space<semaphore_mem>>
      %dma_start3A_295 = tpu.memref_slice %arg3[%mul3A_2] : memref<4096xi32, #tpu.memory_space<hbm>> -> memref<128xi32, #tpu.memory_space<hbm>>
      %dma_start3A_296 = tpu.memref_slice %arg3[%mul3A_2] : memref<4096xi32, #tpu.memory_space<hbm>> -> memref<128xi32, #tpu.memory_space<hbm>>
      tpu.enqueue_dma source(%dma_start3A_296 : memref<128xi32, #tpu.memory_space<hbm>>) target(%arg14 : memref<128xi32, #tpu.memory_space<vmem>>) target_semaphore(%run_scoped3A : memref<!tpu.dma_semaphore, #tpu.memory_space<semaphore_mem>>)
      %dma_wait3A_297 = tpu.memref_slice %arg3[%mul3A_2] : memref<4096xi32, #tpu.memory_space<hbm>> -> memref<128xi32, #tpu.memory_space<hbm>>
      %dma_wait3A_298 = tpu.memref_slice %arg3[%mul3A_2] : memref<4096xi32, #tpu.memory_space<hbm>> -> memref<128xi32, #tpu.memory_space<hbm>>
      tpu.wait_dma2 semaphore(%run_scoped3A : memref<!tpu.dma_semaphore, #tpu.memory_space<semaphore_mem>>) src(%dma_wait3A_298 : memref<128xi32, #tpu.memory_space<hbm>>) dst(%arg14 : memref<128xi32, #tpu.memory_space<vmem>>)
      tpu.yield
    }) : () -> ()
    %get3A = arith.constant 0 : index
    %get3A_3 = tpu.vector_load %arg13[%get3A] {strides = array<i32>} : memref<128xi32, #tpu.memory_space<vmem>>, vector<16xi32>,
    %get3A_4 = vector.shape_cast %get3A_3 : vector<16xi32> to vector<16xi32>
    %add3A_5 = arith.constant 100000 : i32
    %add3A_6 = vector.broadcast %add3A_5 : i32 to vector<16xi32>
    %add3A_7 = arith.addi %get3A_4, %add3A_6 : vector<16xi32>
    %swap3A = arith.constant 0 : index
    %swap3A_8 = tpu.vector_load %arg15[%swap3A] {strides = array<i32>} : memref<128xi32, #tpu.memory_space<vmem>>, vector<16xi32>,
    %swap3A_9 = vector.shape_cast %swap3A_8 : vector<16xi32> to vector<16xi32>
    %swap3A_10 = vector.shape_cast %add3A_7 : vector<16xi32> to vector<16xi32>
    tpu.vector_store %arg15[%swap3A], %swap3A_10 {strides = array<i32>} : memref<128xi32, #tpu.memory_space<vmem>>, vector<16xi32>,
    %get3A_11 = arith.constant 0 : index
    %get3A_12 = tpu.vector_load %arg14[%get3A_11] {strides = array<i32>} : memref<128xi32, #tpu.memory_space<vmem>>, vector<16xi32>,
    %get3A_13 = vector.shape_cast %get3A_12 : vector<16xi32> to vector<16xi32>
    %add3A_14 = arith.constant 100000 : i32
    %add3A_15 = vector.broadcast %add3A_14 : i32 to vector<16xi32>
    %add3A_16 = arith.addi %get3A_13, %add3A_15 : vector<16xi32>
    %swap3A_17 = arith.constant 0 : index
    %swap3A_18 = tpu.vector_load %arg16[%swap3A_17] {strides = array<i32>} : memref<128xi32, #tpu.memory_space<vmem>>, vector<16xi32>,
    %swap3A_19 = vector.shape_cast %swap3A_18 : vector<16xi32> to vector<16xi32>
    %swap3A_20 = vector.shape_cast %add3A_16 : vector<16xi32> to vector<16xi32>
    tpu.vector_store %arg16[%swap3A_17], %swap3A_20 {strides = array<i32>} : memref<128xi32, #tpu.memory_space<vmem>>, vector<16xi32>,
    %get3A_21 = arith.constant 16 : index
    %get3A_22 = tpu.vector_load %arg13[%get3A_21] {strides = array<i32>} : memref<128xi32, #tpu.memory_space<vmem>>, vector<16xi32>,
    %get3A_23 = vector.shape_cast %get3A_22 : vector<16xi32> to vector<16xi32>
    %add3A_24 = arith.constant 100000 : i32
    %add3A_25 = vector.broadcast %add3A_24 : i32 to vector<16xi32>
    %add3A_26 = arith.addi %get3A_23, %add3A_25 : vector<16xi32>
    %swap3A_27 = arith.constant 16 : index
    %swap3A_28 = tpu.vector_load %arg15[%swap3A_27] {strides = array<i32>} : memref<128xi32, #tpu.memory_space<vmem>>, vector<16xi32>,
    %swap3A_29 = vector.shape_cast %swap3A_28 : vector<16xi32> to vector<16xi32>
    %swap3A_30 = vector.shape_cast %add3A_26 : vector<16xi32> to vector<16xi32>
    tpu.vector_store %arg15[%swap3A_27], %swap3A_30 {strides = array<i32>} : memref<128xi32, #tpu.memory_space<vmem>>, vector<16xi32>,
    %get3A_31 = arith.constant 16 : index
    %get3A_32 = tpu.vector_load %arg14[%get3A_31] {strides = array<i32>} : memref<128xi32, #tpu.memory_space<vmem>>, vector<16xi32>,
    %get3A_33 = vector.shape_cast %get3A_32 : vector<16xi32> to vector<16xi32>
    %add3A_34 = arith.constant 100000 : i32
    %add3A_35 = vector.broadcast %add3A_34 : i32 to vector<16xi32>
    %add3A_36 = arith.addi %get3A_33, %add3A_35 : vector<16xi32>
    %swap3A_37 = arith.constant 16 : index
    %swap3A_38 = tpu.vector_load %arg16[%swap3A_37] {strides = array<i32>} : memref<128xi32, #tpu.memory_space<vmem>>, vector<16xi32>,
    %swap3A_39 = vector.shape_cast %swap3A_38 : vector<16xi32> to vector<16xi32>
    %swap3A_40 = vector.shape_cast %add3A_36 : vector<16xi32> to vector<16xi32>
    tpu.vector_store %arg16[%swap3A_37], %swap3A_40 {strides = array<i32>} : memref<128xi32, #tpu.memory_space<vmem>>, vector<16xi32>,
    %get3A_41 = arith.constant 32 : index
    %get3A_42 = tpu.vector_load %arg13[%get3A_41] {strides = array<i32>} : memref<128xi32, #tpu.memory_space<vmem>>, vector<16xi32>,
    %get3A_43 = vector.shape_cast %get3A_42 : vector<16xi32> to vector<16xi32>
    %add3A_44 = arith.constant 100000 : i32
    %add3A_45 = vector.broadcast %add3A_44 : i32 to vector<16xi32>
    %add3A_46 = arith.addi %get3A_43, %add3A_45 : vector<16xi32>
    %swap3A_47 = arith.constant 32 : index
    %swap3A_48 = tpu.vector_load %arg15[%swap3A_47] {strides = array<i32>} : memref<128xi32, #tpu.memory_space<vmem>>, vector<16xi32>,
    %swap3A_49 = vector.shape_cast %swap3A_48 : vector<16xi32> to vector<16xi32>
    %swap3A_50 = vector.shape_cast %add3A_46 : vector<16xi32> to vector<16xi32>
    tpu.vector_store %arg15[%swap3A_47], %swap3A_50 {strides = array<i32>} : memref<128xi32, #tpu.memory_space<vmem>>, vector<16xi32>,
    %get3A_51 = arith.constant 32 : index
    %get3A_52 = tpu.vector_load %arg14[%get3A_51] {strides = array<i32>} : memref<128xi32, #tpu.memory_space<vmem>>, vector<16xi32>,
    %get3A_53 = vector.shape_cast %get3A_52 : vector<16xi32> to vector<16xi32>
    %add3A_54 = arith.constant 100000 : i32
    %add3A_55 = vector.broadcast %add3A_54 : i32 to vector<16xi32>
    %add3A_56 = arith.addi %get3A_53, %add3A_55 : vector<16xi32>
    %swap3A_57 = arith.constant 32 : index
    %swap3A_58 = tpu.vector_load %arg16[%swap3A_57] {strides = array<i32>} : memref<128xi32, #tpu.memory_space<vmem>>, vector<16xi32>,
    %swap3A_59 = vector.shape_cast %swap3A_58 : vector<16xi32> to vector<16xi32>
    %swap3A_60 = vector.shape_cast %add3A_56 : vector<16xi32> to vector<16xi32>
    tpu.vector_store %arg16[%swap3A_57], %swap3A_60 {strides = array<i32>} : memref<128xi32, #tpu.memory_space<vmem>>, vector<16xi32>,
    %get3A_61 = arith.constant 48 : index
    %get3A_62 = tpu.vector_load %arg13[%get3A_61] {strides = array<i32>} : memref<128xi32, #tpu.memory_space<vmem>>, vector<16xi32>,
    %get3A_63 = vector.shape_cast %get3A_62 : vector<16xi32> to vector<16xi32>
    %add3A_64 = arith.constant 100000 : i32
    %add3A_65 = vector.broadcast %add3A_64 : i32 to vector<16xi32>
    %add3A_66 = arith.addi %get3A_63, %add3A_65 : vector<16xi32>
    %swap3A_67 = arith.constant 48 : index
    %swap3A_68 = tpu.vector_load %arg15[%swap3A_67] {strides = array<i32>} : memref<128xi32, #tpu.memory_space<vmem>>, vector<16xi32>,
    %swap3A_69 = vector.shape_cast %swap3A_68 : vector<16xi32> to vector<16xi32>
    %swap3A_70 = vector.shape_cast %add3A_66 : vector<16xi32> to vector<16xi32>
    tpu.vector_store %arg15[%swap3A_67], %swap3A_70 {strides = array<i32>} : memref<128xi32, #tpu.memory_space<vmem>>, vector<16xi32>,
    %get3A_71 = arith.constant 48 : index
    %get3A_72 = tpu.vector_load %arg14[%get3A_71] {strides = array<i32>} : memref<128xi32, #tpu.memory_space<vmem>>, vector<16xi32>,
    %get3A_73 = vector.shape_cast %get3A_72 : vector<16xi32> to vector<16xi32>
    %add3A_74 = arith.constant 100000 : i32
    %add3A_75 = vector.broadcast %add3A_74 : i32 to vector<16xi32>
    %add3A_76 = arith.addi %get3A_73, %add3A_75 : vector<16xi32>
    %swap3A_77 = arith.constant 48 : index
    %swap3A_78 = tpu.vector_load %arg16[%swap3A_77] {strides = array<i32>} : memref<128xi32, #tpu.memory_space<vmem>>, vector<16xi32>,
    %swap3A_79 = vector.shape_cast %swap3A_78 : vector<16xi32> to vector<16xi32>
    %swap3A_80 = vector.shape_cast %add3A_76 : vector<16xi32> to vector<16xi32>
    tpu.vector_store %arg16[%swap3A_77], %swap3A_80 {strides = array<i32>} : memref<128xi32, #tpu.memory_space<vmem>>, vector<16xi32>,
    %get3A_81 = arith.constant 64 : index
    %get3A_82 = tpu.vector_load %arg13[%get3A_81] {strides = array<i32>} : memref<128xi32, #tpu.memory_space<vmem>>, vector<16xi32>,
    %get3A_83 = vector.shape_cast %get3A_82 : vector<16xi32> to vector<16xi32>
    %add3A_84 = arith.constant 100000 : i32
    %add3A_85 = vector.broadcast %add3A_84 : i32 to vector<16xi32>
    %add3A_86 = arith.addi %get3A_83, %add3A_85 : vector<16xi32>
    %swap3A_87 = arith.constant 64 : index
    %swap3A_88 = tpu.vector_load %arg15[%swap3A_87] {strides = array<i32>} : memref<128xi32, #tpu.memory_space<vmem>>, vector<16xi32>,
    %swap3A_89 = vector.shape_cast %swap3A_88 : vector<16xi32> to vector<16xi32>
    %swap3A_90 = vector.shape_cast %add3A_86 : vector<16xi32> to vector<16xi32>
    tpu.vector_store %arg15[%swap3A_87], %swap3A_90 {strides = array<i32>} : memref<128xi32, #tpu.memory_space<vmem>>, vector<16xi32>,
    %get3A_91 = arith.constant 64 : index
    %get3A_92 = tpu.vector_load %arg14[%get3A_91] {strides = array<i32>} : memref<128xi32, #tpu.memory_space<vmem>>, vector<16xi32>,
    %get3A_93 = vector.shape_cast %get3A_92 : vector<16xi32> to vector<16xi32>
    %add3A_94 = arith.constant 100000 : i32
    %add3A_95 = vector.broadcast %add3A_94 : i32 to vector<16xi32>
    %add3A_96 = arith.addi %get3A_93, %add3A_95 : vector<16xi32>
    %swap3A_97 = arith.constant 64 : index
    %swap3A_98 = tpu.vector_load %arg16[%swap3A_97] {strides = array<i32>} : memref<128xi32, #tpu.memory_space<vmem>>, vector<16xi32>,
    %swap3A_99 = vector.shape_cast %swap3A_98 : vector<16xi32> to vector<16xi32>
    %swap3A_100 = vector.shape_cast %add3A_96 : vector<16xi32> to vector<16xi32>
    tpu.vector_store %arg16[%swap3A_97], %swap3A_100 {strides = array<i32>} : memref<128xi32, #tpu.memory_space<vmem>>, vector<16xi32>,
    %get3A_101 = arith.constant 80 : index
    %get3A_102 = tpu.vector_load %arg13[%get3A_101] {strides = array<i32>} : memref<128xi32, #tpu.memory_space<vmem>>, vector<16xi32>,
    %get3A_103 = vector.shape_cast %get3A_102 : vector<16xi32> to vector<16xi32>
    %add3A_104 = arith.constant 100000 : i32
    %add3A_105 = vector.broadcast %add3A_104 : i32 to vector<16xi32>
    %add3A_106 = arith.addi %get3A_103, %add3A_105 : vector<16xi32>
    %swap3A_107 = arith.constant 80 : index
    %swap3A_108 = tpu.vector_load %arg15[%swap3A_107] {strides = array<i32>} : memref<128xi32, #tpu.memory_space<vmem>>, vector<16xi32>,
    %swap3A_109 = vector.shape_cast %swap3A_108 : vector<16xi32> to vector<16xi32>
    %swap3A_110 = vector.shape_cast %add3A_106 : vector<16xi32> to vector<16xi32>
    tpu.vector_store %arg15[%swap3A_107], %swap3A_110 {strides = array<i32>} : memref<128xi32, #tpu.memory_space<vmem>>, vector<16xi32>,
    %get3A_111 = arith.constant 80 : index
    %get3A_112 = tpu.vector_load %arg14[%get3A_111] {strides = array<i32>} : memref<128xi32, #tpu.memory_space<vmem>>, vector<16xi32>,
    %get3A_113 = vector.shape_cast %get3A_112 : vector<16xi32> to vector<16xi32>
    %add3A_114 = arith.constant 100000 : i32
    %add3A_115 = vector.broadcast %add3A_114 : i32 to vector<16xi32>
    %add3A_116 = arith.addi %get3A_113, %add3A_115 : vector<16xi32>
    %swap3A_117 = arith.constant 80 : index
    %swap3A_118 = tpu.vector_load %arg16[%swap3A_117] {strides = array<i32>} : memref<128xi32, #tpu.memory_space<vmem>>, vector<16xi32>,
    %swap3A_119 = vector.shape_cast %swap3A_118 : vector<16xi32> to vector<16xi32>
    %swap3A_120 = vector.shape_cast %add3A_116 : vector<16xi32> to vector<16xi32>
    tpu.vector_store %arg16[%swap3A_117], %swap3A_120 {strides = array<i32>} : memref<128xi32, #tpu.memory_space<vmem>>, vector<16xi32>,
    %get3A_121 = arith.constant 96 : index
    %get3A_122 = tpu.vector_load %arg13[%get3A_121] {strides = array<i32>} : memref<128xi32, #tpu.memory_space<vmem>>, vector<16xi32>,
    %get3A_123 = vector.shape_cast %get3A_122 : vector<16xi32> to vector<16xi32>
    %add3A_124 = arith.constant 100000 : i32
    %add3A_125 = vector.broadcast %add3A_124 : i32 to vector<16xi32>
    %add3A_126 = arith.addi %get3A_123, %add3A_125 : vector<16xi32>
    %swap3A_127 = arith.constant 96 : index
    %swap3A_128 = tpu.vector_load %arg15[%swap3A_127] {strides = array<i32>} : memref<128xi32, #tpu.memory_space<vmem>>, vector<16xi32>,
    %swap3A_129 = vector.shape_cast %swap3A_128 : vector<16xi32> to vector<16xi32>
    %swap3A_130 = vector.shape_cast %add3A_126 : vector<16xi32> to vector<16xi32>
    tpu.vector_store %arg15[%swap3A_127], %swap3A_130 {strides = array<i32>} : memref<128xi32, #tpu.memory_space<vmem>>, vector<16xi32>,
    %get3A_131 = arith.constant 96 : index
    %get3A_132 = tpu.vector_load %arg14[%get3A_131] {strides = array<i32>} : memref<128xi32, #tpu.memory_space<vmem>>, vector<16xi32>,
    %get3A_133 = vector.shape_cast %get3A_132 : vector<16xi32> to vector<16xi32>
    %add3A_134 = arith.constant 100000 : i32
    %add3A_135 = vector.broadcast %add3A_134 : i32 to vector<16xi32>
    %add3A_136 = arith.addi %get3A_133, %add3A_135 : vector<16xi32>
    %swap3A_137 = arith.constant 96 : index
    %swap3A_138 = tpu.vector_load %arg16[%swap3A_137] {strides = array<i32>} : memref<128xi32, #tpu.memory_space<vmem>>, vector<16xi32>,
    %swap3A_139 = vector.shape_cast %swap3A_138 : vector<16xi32> to vector<16xi32>
    %swap3A_140 = vector.shape_cast %add3A_136 : vector<16xi32> to vector<16xi32>
    tpu.vector_store %arg16[%swap3A_137], %swap3A_140 {strides = array<i32>} : memref<128xi32, #tpu.memory_space<vmem>>, vector<16xi32>,
    %get3A_141 = arith.constant 112 : index
    %get3A_142 = tpu.vector_load %arg13[%get3A_141] {strides = array<i32>} : memref<128xi32, #tpu.memory_space<vmem>>, vector<16xi32>,
    %get3A_143 = vector.shape_cast %get3A_142 : vector<16xi32> to vector<16xi32>
    %add3A_144 = arith.constant 100000 : i32
    %add3A_145 = vector.broadcast %add3A_144 : i32 to vector<16xi32>
    %add3A_146 = arith.addi %get3A_143, %add3A_145 : vector<16xi32>
    %swap3A_147 = arith.constant 112 : index
    %swap3A_148 = tpu.vector_load %arg15[%swap3A_147] {strides = array<i32>} : memref<128xi32, #tpu.memory_space<vmem>>, vector<16xi32>,
    %swap3A_149 = vector.shape_cast %swap3A_148 : vector<16xi32> to vector<16xi32>
    %swap3A_150 = vector.shape_cast %add3A_146 : vector<16xi32> to vector<16xi32>
    tpu.vector_store %arg15[%swap3A_147], %swap3A_150 {strides = array<i32>} : memref<128xi32, #tpu.memory_space<vmem>>, vector<16xi32>,
    %get3A_151 = arith.constant 112 : index
    %get3A_152 = tpu.vector_load %arg14[%get3A_151] {strides = array<i32>} : memref<128xi32, #tpu.memory_space<vmem>>, vector<16xi32>,
    %get3A_153 = vector.shape_cast %get3A_152 : vector<16xi32> to vector<16xi32>
    %add3A_154 = arith.constant 100000 : i32
    %add3A_155 = vector.broadcast %add3A_154 : i32 to vector<16xi32>
    %add3A_156 = arith.addi %get3A_153, %add3A_155 : vector<16xi32>
    %swap3A_157 = arith.constant 112 : index
    %swap3A_158 = tpu.vector_load %arg16[%swap3A_157] {strides = array<i32>} : memref<128xi32, #tpu.memory_space<vmem>>, vector<16xi32>,
    %swap3A_159 = vector.shape_cast %swap3A_158 : vector<16xi32> to vector<16xi32>
    %swap3A_160 = vector.shape_cast %add3A_156 : vector<16xi32> to vector<16xi32>
    tpu.vector_store %arg16[%swap3A_157], %swap3A_160 {strides = array<i32>} : memref<128xi32, #tpu.memory_space<vmem>>, vector<16xi32>,
    %dma_start3A = arith.constant 0 : i32
    %dma_start3A_161 = tpu.memref_slice %arg4[%dma_start3A] : memref<200000xf32, #tpu.memory_space<hbm>> -> memref<200000xf32, #tpu.memory_space<hbm>>
    tpu.enqueue_indirect_dma source(%dma_start3A_161 : memref<200000xf32, #tpu.memory_space<hbm>>) target(%arg17 : memref<128xf32, #tpu.memory_space<vmem>>) offsets(%arg13 : memref<128xi32, #tpu.memory_space<vmem>>) semaphore(%arg24 : memref<!tpu.dma_semaphore, #tpu.memory_space<semaphore_mem>>)
    %dma_start3A_162 = arith.constant 0 : i32
    %dma_start3A_163 = tpu.memref_slice %arg4[%dma_start3A_162] : memref<200000xf32, #tpu.memory_space<hbm>> -> memref<200000xf32, #tpu.memory_space<hbm>>
    tpu.enqueue_indirect_dma source(%dma_start3A_163 : memref<200000xf32, #tpu.memory_space<hbm>>) target(%arg18 : memref<128xf32, #tpu.memory_space<vmem>>) offsets(%arg15 : memref<128xi32, #tpu.memory_space<vmem>>) semaphore(%arg24 : memref<!tpu.dma_semaphore, #tpu.memory_space<semaphore_mem>>)
    %dma_start3A_164 = arith.constant 0 : i32
    %dma_start3A_165 = tpu.memref_slice %arg5[%dma_start3A_164] : memref<200000xf32, #tpu.memory_space<hbm>> -> memref<200000xf32, #tpu.memory_space<hbm>>
    tpu.enqueue_indirect_dma source(%dma_start3A_165 : memref<200000xf32, #tpu.memory_space<hbm>>) target(%arg19 : memref<128xf32, #tpu.memory_space<vmem>>) offsets(%arg14 : memref<128xi32, #tpu.memory_space<vmem>>) semaphore(%arg24 : memref<!tpu.dma_semaphore, #tpu.memory_space<semaphore_mem>>)
    %dma_start3A_166 = arith.constant 0 : i32
    %dma_start3A_167 = tpu.memref_slice %arg5[%dma_start3A_166] : memref<200000xf32, #tpu.memory_space<hbm>> -> memref<200000xf32, #tpu.memory_space<hbm>>
    tpu.enqueue_indirect_dma source(%dma_start3A_167 : memref<200000xf32, #tpu.memory_space<hbm>>) target(%arg20 : memref<128xf32, #tpu.memory_space<vmem>>) offsets(%arg16 : memref<128xi32, #tpu.memory_space<vmem>>) semaphore(%arg24 : memref<!tpu.dma_semaphore, #tpu.memory_space<semaphore_mem>>)
    %dma_start3A_168 = arith.constant 0 : i32
    %dma_start3A_169 = tpu.memref_slice %arg6[%dma_start3A_168] : memref<100000xf32, #tpu.memory_space<hbm>> -> memref<100000xf32, #tpu.memory_space<hbm>>
    tpu.enqueue_indirect_dma source(%dma_start3A_169 : memref<100000xf32, #tpu.memory_space<hbm>>) target(%arg21 : memref<128xf32, #tpu.memory_space<vmem>>) offsets(%arg13 : memref<128xi32, #tpu.memory_space<vmem>>) semaphore(%arg24 : memref<!tpu.dma_semaphore, #tpu.memory_space<semaphore_mem>>)
    %dma_start3A_170 = arith.constant 0 : i32
    %dma_start3A_171 = tpu.memref_slice %arg7[%dma_start3A_170] : memref<100000xf32, #tpu.memory_space<hbm>> -> memref<100000xf32, #tpu.memory_space<hbm>>
    tpu.enqueue_indirect_dma source(%dma_start3A_171 : memref<100000xf32, #tpu.memory_space<hbm>>) target(%arg22 : memref<128xf32, #tpu.memory_space<vmem>>) offsets(%arg14 : memref<128xi32, #tpu.memory_space<vmem>>) semaphore(%arg24 : memref<!tpu.dma_semaphore, #tpu.memory_space<semaphore_mem>>)
    %dma_wait3A = arith.constant 0 : i32
    %dma_wait3A_172 = tpu.memref_slice %arg4[%dma_wait3A] : memref<200000xf32, #tpu.memory_space<hbm>> -> memref<200000xf32, #tpu.memory_space<hbm>>
    tpu.wait_indirect_dma semaphore(%arg24 : memref<!tpu.dma_semaphore, #tpu.memory_space<semaphore_mem>>) src(%dma_wait3A_172 : memref<200000xf32, #tpu.memory_space<hbm>>) dst(%arg17 : memref<128xf32, #tpu.memory_space<vmem>>)
    %dma_wait3A_173 = arith.constant 0 : i32
    %dma_wait3A_174 = tpu.memref_slice %arg4[%dma_wait3A_173] : memref<200000xf32, #tpu.memory_space<hbm>> -> memref<200000xf32, #tpu.memory_space<hbm>>
    tpu.wait_indirect_dma semaphore(%arg24 : memref<!tpu.dma_semaphore, #tpu.memory_space<semaphore_mem>>) src(%dma_wait3A_174 : memref<200000xf32, #tpu.memory_space<hbm>>) dst(%arg18 : memref<128xf32, #tpu.memory_space<vmem>>)
    %dma_wait3A_175 = arith.constant 0 : i32
    %dma_wait3A_176 = tpu.memref_slice %arg5[%dma_wait3A_175] : memref<200000xf32, #tpu.memory_space<hbm>> -> memref<200000xf32, #tpu.memory_space<hbm>>
    tpu.wait_indirect_dma semaphore(%arg24 : memref<!tpu.dma_semaphore, #tpu.memory_space<semaphore_mem>>) src(%dma_wait3A_176 : memref<200000xf32, #tpu.memory_space<hbm>>) dst(%arg19 : memref<128xf32, #tpu.memory_space<vmem>>)
    %dma_wait3A_177 = arith.constant 0 : i32
    %dma_wait3A_178 = tpu.memref_slice %arg5[%dma_wait3A_177] : memref<200000xf32, #tpu.memory_space<hbm>> -> memref<200000xf32, #tpu.memory_space<hbm>>
    tpu.wait_indirect_dma semaphore(%arg24 : memref<!tpu.dma_semaphore, #tpu.memory_space<semaphore_mem>>) src(%dma_wait3A_178 : memref<200000xf32, #tpu.memory_space<hbm>>) dst(%arg20 : memref<128xf32, #tpu.memory_space<vmem>>)
    %dma_wait3A_179 = arith.constant 0 : i32
    %dma_wait3A_180 = tpu.memref_slice %arg6[%dma_wait3A_179] : memref<100000xf32, #tpu.memory_space<hbm>> -> memref<100000xf32, #tpu.memory_space<hbm>>
    tpu.wait_indirect_dma semaphore(%arg24 : memref<!tpu.dma_semaphore, #tpu.memory_space<semaphore_mem>>) src(%dma_wait3A_180 : memref<100000xf32, #tpu.memory_space<hbm>>) dst(%arg21 : memref<128xf32, #tpu.memory_space<vmem>>)
    %dma_wait3A_181 = arith.constant 0 : i32
    %dma_wait3A_182 = tpu.memref_slice %arg7[%dma_wait3A_181] : memref<100000xf32, #tpu.memory_space<hbm>> -> memref<100000xf32, #tpu.memory_space<hbm>>
    tpu.wait_indirect_dma semaphore(%arg24 : memref<!tpu.dma_semaphore, #tpu.memory_space<semaphore_mem>>) src(%dma_wait3A_182 : memref<100000xf32, #tpu.memory_space<hbm>>) dst(%arg22 : memref<128xf32, #tpu.memory_space<vmem>>)
    %get3A_183 = arith.constant 0 : index
    %get3A_184 = tpu.vector_load %arg21[%get3A_183] {strides = array<i32>} : memref<128xf32, #tpu.memory_space<vmem>>, vector<16xf32>,
    %get3A_185 = vector.shape_cast %get3A_184 : vector<16xf32> to vector<16xf32>
    %get3A_186 = arith.constant 0 : index
    %get3A_187 = tpu.vector_load %arg22[%get3A_186] {strides = array<i32>} : memref<128xf32, #tpu.memory_space<vmem>>, vector<16xf32>,
    %get3A_188 = vector.shape_cast %get3A_187 : vector<16xf32> to vector<16xf32>
    %add3A_189 = arith.addf %get3A_185, %get3A_188 : vector<16xf32>
    %add3A_190 = arith.constant 3.500000e+00 : f32
    %add3A_191 = vector.broadcast %add3A_190 : f32 to vector<16xf32>
    %add3A_192 = arith.addf %add3A_189, %add3A_191 : vector<16xf32>
    %swap3A_193 = arith.constant 0 : index
    %swap3A_194 = tpu.vector_load %arg23[%swap3A_193] {strides = array<i32>} : memref<128xf32, #tpu.memory_space<vmem>>, vector<16xf32>,
    %swap3A_195 = vector.shape_cast %swap3A_194 : vector<16xf32> to vector<16xf32>
    %swap3A_196 = vector.shape_cast %add3A_192 : vector<16xf32> to vector<16xf32>
    tpu.vector_store %arg23[%swap3A_193], %swap3A_196 {strides = array<i32>} : memref<128xf32, #tpu.memory_space<vmem>>, vector<16xf32>,
    %get3A_197 = arith.constant 16 : index
    %get3A_198 = tpu.vector_load %arg21[%get3A_197] {strides = array<i32>} : memref<128xf32, #tpu.memory_space<vmem>>, vector<16xf32>,
    %get3A_199 = vector.shape_cast %get3A_198 : vector<16xf32> to vector<16xf32>
    %get3A_200 = arith.constant 16 : index
    %get3A_201 = tpu.vector_load %arg22[%get3A_200] {strides = array<i32>} : memref<128xf32, #tpu.memory_space<vmem>>, vector<16xf32>,
    %get3A_202 = vector.shape_cast %get3A_201 : vector<16xf32> to vector<16xf32>
    %add3A_203 = arith.addf %get3A_199, %get3A_202 : vector<16xf32>
    %add3A_204 = arith.constant 3.500000e+00 : f32
    %add3A_205 = vector.broadcast %add3A_204 : f32 to vector<16xf32>
    %add3A_206 = arith.addf %add3A_203, %add3A_205 : vector<16xf32>
    %swap3A_207 = arith.constant 16 : index
    %swap3A_208 = tpu.vector_load %arg23[%swap3A_207] {strides = array<i32>} : memref<128xf32, #tpu.memory_space<vmem>>, vector<16xf32>,
    %swap3A_209 = vector.shape_cast %swap3A_208 : vector<16xf32> to vector<16xf32>
    %swap3A_210 = vector.shape_cast %add3A_206 : vector<16xf32> to vector<16xf32>
    tpu.vector_store %arg23[%swap3A_207], %swap3A_210 {strides = array<i32>} : memref<128xf32, #tpu.memory_space<vmem>>, vector<16xf32>,
    %get3A_211 = arith.constant 32 : index
    %get3A_212 = tpu.vector_load %arg21[%get3A_211] {strides = array<i32>} : memref<128xf32, #tpu.memory_space<vmem>>, vector<16xf32>,
    %get3A_213 = vector.shape_cast %get3A_212 : vector<16xf32> to vector<16xf32>
    %get3A_214 = arith.constant 32 : index
    %get3A_215 = tpu.vector_load %arg22[%get3A_214] {strides = array<i32>} : memref<128xf32, #tpu.memory_space<vmem>>, vector<16xf32>,
    %get3A_216 = vector.shape_cast %get3A_215 : vector<16xf32> to vector<16xf32>
    %add3A_217 = arith.addf %get3A_213, %get3A_216 : vector<16xf32>
    %add3A_218 = arith.constant 3.500000e+00 : f32
    %add3A_219 = vector.broadcast %add3A_218 : f32 to vector<16xf32>
    %add3A_220 = arith.addf %add3A_217, %add3A_219 : vector<16xf32>
    %swap3A_221 = arith.constant 32 : index
    %swap3A_222 = tpu.vector_load %arg23[%swap3A_221] {strides = array<i32>} : memref<128xf32, #tpu.memory_space<vmem>>, vector<16xf32>,
    %swap3A_223 = vector.shape_cast %swap3A_222 : vector<16xf32> to vector<16xf32>
    %swap3A_224 = vector.shape_cast %add3A_220 : vector<16xf32> to vector<16xf32>
    tpu.vector_store %arg23[%swap3A_221], %swap3A_224 {strides = array<i32>} : memref<128xf32, #tpu.memory_space<vmem>>, vector<16xf32>,
    %get3A_225 = arith.constant 48 : index
    %get3A_226 = tpu.vector_load %arg21[%get3A_225] {strides = array<i32>} : memref<128xf32, #tpu.memory_space<vmem>>, vector<16xf32>,
    %get3A_227 = vector.shape_cast %get3A_226 : vector<16xf32> to vector<16xf32>
    %get3A_228 = arith.constant 48 : index
    %get3A_229 = tpu.vector_load %arg22[%get3A_228] {strides = array<i32>} : memref<128xf32, #tpu.memory_space<vmem>>, vector<16xf32>,
    %get3A_230 = vector.shape_cast %get3A_229 : vector<16xf32> to vector<16xf32>
    %add3A_231 = arith.addf %get3A_227, %get3A_230 : vector<16xf32>
    %add3A_232 = arith.constant 3.500000e+00 : f32
    %add3A_233 = vector.broadcast %add3A_232 : f32 to vector<16xf32>
    %add3A_234 = arith.addf %add3A_231, %add3A_233 : vector<16xf32>
    %swap3A_235 = arith.constant 48 : index
    %swap3A_236 = tpu.vector_load %arg23[%swap3A_235] {strides = array<i32>} : memref<128xf32, #tpu.memory_space<vmem>>, vector<16xf32>,
    %swap3A_237 = vector.shape_cast %swap3A_236 : vector<16xf32> to vector<16xf32>
    %swap3A_238 = vector.shape_cast %add3A_234 : vector<16xf32> to vector<16xf32>
    tpu.vector_store %arg23[%swap3A_235], %swap3A_238 {strides = array<i32>} : memref<128xf32, #tpu.memory_space<vmem>>, vector<16xf32>,
    %get3A_239 = arith.constant 64 : index
    %get3A_240 = tpu.vector_load %arg21[%get3A_239] {strides = array<i32>} : memref<128xf32, #tpu.memory_space<vmem>>, vector<16xf32>,
    %get3A_241 = vector.shape_cast %get3A_240 : vector<16xf32> to vector<16xf32>
    %get3A_242 = arith.constant 64 : index
    %get3A_243 = tpu.vector_load %arg22[%get3A_242] {strides = array<i32>} : memref<128xf32, #tpu.memory_space<vmem>>, vector<16xf32>,
    %get3A_244 = vector.shape_cast %get3A_243 : vector<16xf32> to vector<16xf32>
    %add3A_245 = arith.addf %get3A_241, %get3A_244 : vector<16xf32>
    %add3A_246 = arith.constant 3.500000e+00 : f32
    %add3A_247 = vector.broadcast %add3A_246 : f32 to vector<16xf32>
    %add3A_248 = arith.addf %add3A_245, %add3A_247 : vector<16xf32>
    %swap3A_249 = arith.constant 64 : index
    %swap3A_250 = tpu.vector_load %arg23[%swap3A_249] {strides = array<i32>} : memref<128xf32, #tpu.memory_space<vmem>>, vector<16xf32>,
    %swap3A_251 = vector.shape_cast %swap3A_250 : vector<16xf32> to vector<16xf32>
    %swap3A_252 = vector.shape_cast %add3A_248 : vector<16xf32> to vector<16xf32>
    tpu.vector_store %arg23[%swap3A_249], %swap3A_252 {strides = array<i32>} : memref<128xf32, #tpu.memory_space<vmem>>, vector<16xf32>,
    %get3A_253 = arith.constant 80 : index
    %get3A_254 = tpu.vector_load %arg21[%get3A_253] {strides = array<i32>} : memref<128xf32, #tpu.memory_space<vmem>>, vector<16xf32>,
    %get3A_255 = vector.shape_cast %get3A_254 : vector<16xf32> to vector<16xf32>
    %get3A_256 = arith.constant 80 : index
    %get3A_257 = tpu.vector_load %arg22[%get3A_256] {strides = array<i32>} : memref<128xf32, #tpu.memory_space<vmem>>, vector<16xf32>,
    %get3A_258 = vector.shape_cast %get3A_257 : vector<16xf32> to vector<16xf32>
    %add3A_259 = arith.addf %get3A_255, %get3A_258 : vector<16xf32>
    %add3A_260 = arith.constant 3.500000e+00 : f32
    %add3A_261 = vector.broadcast %add3A_260 : f32 to vector<16xf32>
    %add3A_262 = arith.addf %add3A_259, %add3A_261 : vector<16xf32>
    %swap3A_263 = arith.constant 80 : index
    %swap3A_264 = tpu.vector_load %arg23[%swap3A_263] {strides = array<i32>} : memref<128xf32, #tpu.memory_space<vmem>>, vector<16xf32>,
    %swap3A_265 = vector.shape_cast %swap3A_264 : vector<16xf32> to vector<16xf32>
    %swap3A_266 = vector.shape_cast %add3A_262 : vector<16xf32> to vector<16xf32>
    tpu.vector_store %arg23[%swap3A_263], %swap3A_266 {strides = array<i32>} : memref<128xf32, #tpu.memory_space<vmem>>, vector<16xf32>,
    %get3A_267 = arith.constant 96 : index
    %get3A_268 = tpu.vector_load %arg21[%get3A_267] {strides = array<i32>} : memref<128xf32, #tpu.memory_space<vmem>>, vector<16xf32>,
    %get3A_269 = vector.shape_cast %get3A_268 : vector<16xf32> to vector<16xf32>
    %get3A_270 = arith.constant 96 : index
    %get3A_271 = tpu.vector_load %arg22[%get3A_270] {strides = array<i32>} : memref<128xf32, #tpu.memory_space<vmem>>, vector<16xf32>,
    %get3A_272 = vector.shape_cast %get3A_271 : vector<16xf32> to vector<16xf32>
    %add3A_273 = arith.addf %get3A_269, %get3A_272 : vector<16xf32>
    %add3A_274 = arith.constant 3.500000e+00 : f32
    %add3A_275 = vector.broadcast %add3A_274 : f32 to vector<16xf32>
    %add3A_276 = arith.addf %add3A_273, %add3A_275 : vector<16xf32>
    %swap3A_277 = arith.constant 96 : index
    %swap3A_278 = tpu.vector_load %arg23[%swap3A_277] {strides = array<i32>} : memref<128xf32, #tpu.memory_space<vmem>>, vector<16xf32>,
    %swap3A_279 = vector.shape_cast %swap3A_278 : vector<16xf32> to vector<16xf32>
    %swap3A_280 = vector.shape_cast %add3A_276 : vector<16xf32> to vector<16xf32>
    tpu.vector_store %arg23[%swap3A_277], %swap3A_280 {strides = array<i32>} : memref<128xf32, #tpu.memory_space<vmem>>, vector<16xf32>,
    %get3A_281 = arith.constant 112 : index
    %get3A_282 = tpu.vector_load %arg21[%get3A_281] {strides = array<i32>} : memref<128xf32, #tpu.memory_space<vmem>>, vector<16xf32>,
    %get3A_283 = vector.shape_cast %get3A_282 : vector<16xf32> to vector<16xf32>
    %get3A_284 = arith.constant 112 : index
    %get3A_285 = tpu.vector_load %arg22[%get3A_284] {strides = array<i32>} : memref<128xf32, #tpu.memory_space<vmem>>, vector<16xf32>,
    %get3A_286 = vector.shape_cast %get3A_285 : vector<16xf32> to vector<16xf32>
    %add3A_287 = arith.addf %get3A_283, %get3A_286 : vector<16xf32>
    %add3A_288 = arith.constant 3.500000e+00 : f32
    %add3A_289 = vector.broadcast %add3A_288 : f32 to vector<16xf32>
    %add3A_290 = arith.addf %add3A_287, %add3A_289 : vector<16xf32>
    %swap3A_291 = arith.constant 112 : index
    %swap3A_292 = tpu.vector_load %arg23[%swap3A_291] {strides = array<i32>} : memref<128xf32, #tpu.memory_space<vmem>>, vector<16xf32>,
    %swap3A_293 = vector.shape_cast %swap3A_292 : vector<16xf32> to vector<16xf32>
    %swap3A_294 = vector.shape_cast %add3A_290 : vector<16xf32> to vector<16xf32>
    tpu.vector_store %arg23[%swap3A_291], %swap3A_294 {strides = array<i32>} : memref<128xf32, #tpu.memory_space<vmem>>, vector<16xf32>,
    "tpu.region"() ({
      %run_scoped3A = tpu.sem_alloc : memref<!tpu.dma_semaphore, #tpu.memory_space<semaphore_mem>>
      %dma_start3A_295 = tpu.memref_slice %arg8[%mul3A_2] : memref<4096xf32, #tpu.memory_space<hbm>> -> memref<128xf32, #tpu.memory_space<hbm>>
      %dma_start3A_296 = tpu.memref_slice %arg8[%mul3A_2] : memref<4096xf32, #tpu.memory_space<hbm>> -> memref<128xf32, #tpu.memory_space<hbm>>
      tpu.enqueue_dma source(%arg17 : memref<128xf32, #tpu.memory_space<vmem>>) target(%dma_start3A_296 : memref<128xf32, #tpu.memory_space<hbm>>) target_semaphore(%run_scoped3A : memref<!tpu.dma_semaphore, #tpu.memory_space<semaphore_mem>>)
      %dma_wait3A_297 = tpu.memref_slice %arg8[%mul3A_2] : memref<4096xf32, #tpu.memory_space<hbm>> -> memref<128xf32, #tpu.memory_space<hbm>>
      %dma_wait3A_298 = tpu.memref_slice %arg8[%mul3A_2] : memref<4096xf32, #tpu.memory_space<hbm>> -> memref<128xf32, #tpu.memory_space<hbm>>
      tpu.wait_dma2 semaphore(%run_scoped3A : memref<!tpu.dma_semaphore, #tpu.memory_space<semaphore_mem>>) src(%arg17 : memref<128xf32, #tpu.memory_space<vmem>>) dst(%dma_wait3A_298 : memref<128xf32, #tpu.memory_space<hbm>>)
      tpu.yield
    }) : () -> ()
    "tpu.region"() ({
      %run_scoped3A = tpu.sem_alloc : memref<!tpu.dma_semaphore, #tpu.memory_space<semaphore_mem>>
      %dma_start3A_295 = tpu.memref_slice %arg9[%mul3A_2] : memref<4096xf32, #tpu.memory_space<hbm>> -> memref<128xf32, #tpu.memory_space<hbm>>
      %dma_start3A_296 = tpu.memref_slice %arg9[%mul3A_2] : memref<4096xf32, #tpu.memory_space<hbm>> -> memref<128xf32, #tpu.memory_space<hbm>>
      tpu.enqueue_dma source(%arg18 : memref<128xf32, #tpu.memory_space<vmem>>) target(%dma_start3A_296 : memref<128xf32, #tpu.memory_space<hbm>>) target_semaphore(%run_scoped3A : memref<!tpu.dma_semaphore, #tpu.memory_space<semaphore_mem>>)
      %dma_wait3A_297 = tpu.memref_slice %arg9[%mul3A_2] : memref<4096xf32, #tpu.memory_space<hbm>> -> memref<128xf32, #tpu.memory_space<hbm>>
      %dma_wait3A_298 = tpu.memref_slice %arg9[%mul3A_2] : memref<4096xf32, #tpu.memory_space<hbm>> -> memref<128xf32, #tpu.memory_space<hbm>>
      tpu.wait_dma2 semaphore(%run_scoped3A : memref<!tpu.dma_semaphore, #tpu.memory_space<semaphore_mem>>) src(%arg18 : memref<128xf32, #tpu.memory_space<vmem>>) dst(%dma_wait3A_298 : memref<128xf32, #tpu.memory_space<hbm>>)
      tpu.yield
    }) : () -> ()
    "tpu.region"() ({
      %run_scoped3A = tpu.sem_alloc : memref<!tpu.dma_semaphore, #tpu.memory_space<semaphore_mem>>
      %dma_start3A_295 = tpu.memref_slice %arg10[%mul3A_2] : memref<4096xf32, #tpu.memory_space<hbm>> -> memref<128xf32, #tpu.memory_space<hbm>>
      %dma_start3A_296 = tpu.memref_slice %arg10[%mul3A_2] : memref<4096xf32, #tpu.memory_space<hbm>> -> memref<128xf32, #tpu.memory_space<hbm>>
      tpu.enqueue_dma source(%arg19 : memref<128xf32, #tpu.memory_space<vmem>>) target(%dma_start3A_296 : memref<128xf32, #tpu.memory_space<hbm>>) target_semaphore(%run_scoped3A : memref<!tpu.dma_semaphore, #tpu.memory_space<semaphore_mem>>)
      %dma_wait3A_297 = tpu.memref_slice %arg10[%mul3A_2] : memref<4096xf32, #tpu.memory_space<hbm>> -> memref<128xf32, #tpu.memory_space<hbm>>
      %dma_wait3A_298 = tpu.memref_slice %arg10[%mul3A_2] : memref<4096xf32, #tpu.memory_space<hbm>> -> memref<128xf32, #tpu.memory_space<hbm>>
      tpu.wait_dma2 semaphore(%run_scoped3A : memref<!tpu.dma_semaphore, #tpu.memory_space<semaphore_mem>>) src(%arg19 : memref<128xf32, #tpu.memory_space<vmem>>) dst(%dma_wait3A_298 : memref<128xf32, #tpu.memory_space<hbm>>)
      tpu.yield
    }) : () -> ()
    "tpu.region"() ({
      %run_scoped3A = tpu.sem_alloc : memref<!tpu.dma_semaphore, #tpu.memory_space<semaphore_mem>>
      %dma_start3A_295 = tpu.memref_slice %arg11[%mul3A_2] : memref<4096xf32, #tpu.memory_space<hbm>> -> memref<128xf32, #tpu.memory_space<hbm>>
      %dma_start3A_296 = tpu.memref_slice %arg11[%mul3A_2] : memref<4096xf32, #tpu.memory_space<hbm>> -> memref<128xf32, #tpu.memory_space<hbm>>
      tpu.enqueue_dma source(%arg20 : memref<128xf32, #tpu.memory_space<vmem>>) target(%dma_start3A_296 : memref<128xf32, #tpu.memory_space<hbm>>) target_semaphore(%run_scoped3A : memref<!tpu.dma_semaphore, #tpu.memory_space<semaphore_mem>>)
      %dma_wait3A_297 = tpu.memref_slice %arg11[%mul3A_2] : memref<4096xf32, #tpu.memory_space<hbm>> -> memref<128xf32, #tpu.memory_space<hbm>>
      %dma_wait3A_298 = tpu.memref_slice %arg11[%mul3A_2] : memref<4096xf32, #tpu.memory_space<hbm>> -> memref<128xf32, #tpu.memory_space<hbm>>
      tpu.wait_dma2 semaphore(%run_scoped3A : memref<!tpu.dma_semaphore, #tpu.memory_space<semaphore_mem>>) src(%arg20 : memref<128xf32, #tpu.memory_space<vmem>>) dst(%dma_wait3A_298 : memref<128xf32, #tpu.memory_space<hbm>>)
      tpu.yield
    }) : () -> ()
    "tpu.region"() ({
      %run_scoped3A = tpu.sem_alloc : memref<!tpu.dma_semaphore, #tpu.memory_space<semaphore_mem>>
      %dma_start3A_295 = tpu.memref_slice %arg12[%mul3A_2] : memref<4096xf32, #tpu.memory_space<hbm>> -> memref<128xf32, #tpu.memory_space<hbm>>
      %dma_start3A_296 = tpu.memref_slice %arg12[%mul3A_2] : memref<4096xf32, #tpu.memory_space<hbm>> -> memref<128xf32, #tpu.memory_space<hbm>>
      tpu.enqueue_dma source(%arg23 : memref<128xf32, #tpu.memory_space<vmem>>) target(%dma_start3A_296 : memref<128xf32, #tpu.memory_space<hbm>>) target_semaphore(%run_scoped3A : memref<!tpu.dma_semaphore, #tpu.memory_space<semaphore_mem>>)
      %dma_wait3A_297 = tpu.memref_slice %arg12[%mul3A_2] : memref<4096xf32, #tpu.memory_space<hbm>> -> memref<128xf32, #tpu.memory_space<hbm>>
      %dma_wait3A_298 = tpu.memref_slice %arg12[%mul3A_2] : memref<4096xf32, #tpu.memory_space<hbm>> -> memref<128xf32, #tpu.memory_space<hbm>>
      tpu.wait_dma2 semaphore(%run_scoped3A : memref<!tpu.dma_semaphore, #tpu.memory_space<semaphore_mem>>) src(%arg23 : memref<128xf32, #tpu.memory_space<vmem>>) dst(%dma_wait3A_298 : memref<128xf32, #tpu.memory_space<hbm>>)
      tpu.yield
    }) : () -> ()
    return
  }
}

module attributes {stable_mosaic.version = 14 : i64} {
  func.func @_dense_body(%arg0: i32, %arg1: memref<512x2xf32, #tpu.memory_space<vmem>>, %arg2: memref<2x4096xf32, #tpu.memory_space<vmem>>, %arg3: memref<512x1xf32, #tpu.memory_space<vmem>>, %arg4: memref<512x4096xf32, #tpu.memory_space<vmem>>) attributes {dimension_semantics = [#tpu.dimension_semantics<arbitrary>], iteration_bounds = array<i64: 8>, scalar_prefetch = 0 : i64, scratch_operands = 0 : i64, tpu.core_type = #tpu.core_type<tc>, window_params = [{transform_indices = @transform_0, window_bounds = array<i64: 512, 2>}, {pipeline_mode = #tpu.pipeline_mode<synchronous>, transform_indices = @transform_1, window_bounds = array<i64: 2, 4096>}, {transform_indices = @transform_2, window_bounds = array<i64: 512, 1>}, {transform_indices = @transform_3, window_bounds = array<i64: 512, 4096>}]} {
    %get3A = arith.constant 0 : index
    %get3A_0 = arith.constant 0 : index
    %get3A_1 = vector.load %arg1[%get3A, %get3A_0] : memref<512x2xf32, #tpu.memory_space<vmem>>, vector<512x2xf32>
    %get3A_2 = arith.constant 0 : index
    %get3A_3 = arith.constant 0 : index
    %get3A_4 = vector.load %arg2[%get3A_2, %get3A_3] : memref<2x4096xf32, #tpu.memory_space<vmem>>, vector<2x4096xf32>
    %dot_general3A = arith.constant dense<0.000000e+00> : vector<512x4096xf32>
    %dot_general3A_5 = tpu.matmul %get3A_1, %get3A_4, %dot_general3A {dimension_numbers = #tpu.dot_dimension_numbers<[1], [0], [0], [1], [0, 0, 1, 1], [], []>, transpose_lhs_hint = false} : vector<512x2xf32>, vector<2x4096xf32>, vector<512x4096xf32> -> vector<512x4096xf32>
    %get3A_6 = arith.constant 0 : index
    %get3A_7 = arith.constant 0 : index
    %get3A_8 = vector.load %arg3[%get3A_6, %get3A_7] : memref<512x1xf32, #tpu.memory_space<vmem>>, vector<512x1xf32>
    %add3A = vector.broadcast %get3A_8 : vector<512x1xf32> to vector<512x4096xf32>
    %add3A_9 = arith.addf %dot_general3A_5, %add3A : vector<512x4096xf32>
    %swap3A = arith.constant 0 : index
    %swap3A_10 = arith.constant 0 : index
    %swap3A_11 = vector.load %arg4[%swap3A, %swap3A_10] : memref<512x4096xf32, #tpu.memory_space<vmem>>, vector<512x4096xf32>
    tpu.vector_store %arg4[%swap3A, %swap3A_10], %add3A_9 {strides = array<i32>} : memref<512x4096xf32, #tpu.memory_space<vmem>>, vector<512x4096xf32>,
    return
  }
  func.func @transform_0(%arg0: i32) -> (i32, i32) {
    %c0_i32 = arith.constant 0 : i32
    %c0_i32_0 = arith.constant 0 : i32
    return %arg0, %c0_i32 : i32, i32
  }
  func.func @transform_1(%arg0: i32) -> (i32, i32) {
    %c0_i32 = arith.constant 0 : i32
    %c0_i32_0 = arith.constant 0 : i32
    %c0_i32_1 = arith.constant 0 : i32
    return %c0_i32, %c0_i32_0 : i32, i32
  }
  func.func @transform_2(%arg0: i32) -> (i32, i32) {
    %c0_i32 = arith.constant 0 : i32
    %c0_i32_0 = arith.constant 0 : i32
    return %arg0, %c0_i32 : i32, i32
  }
  func.func @transform_3(%arg0: i32) -> (i32, i32) {
    %c0_i32 = arith.constant 0 : i32
    %c0_i32_0 = arith.constant 0 : i32
    return %arg0, %c0_i32 : i32, i32
  }
}

</mosaic_0001>

<sc_bundles>
// kernel: kernel.4.cloned.1.call-start
scs
__scs_entry_jumppad:
0x0: {  	(pc) =	sbr.rel $0x88, $3  }
0x1: {  	(tag) =	ssettag $0x0;
	lr =	simm.s32 $0x1  }
0x2: {  	[smem:$0x3F9B] =	sst lr;
	_ =	strace $0xD0000000  }
0x3: {  	_ = 	snop  }
0x4: {  	_ = 	snop  }
0x5: {  	_ = 	snop  }
0x6: {  	_ = 	snop  }
0x7: {  	_ = 	snop  }
__scs_overlays_trampoline_lowered:
0x8: {  	[smem:$0x3FAA] =	sst s0  }
0x9: {  	[smem:$0x3FAB] =	sst s1  }
0xa: {  	[smem:$0x3FAC] =	sst s2  }
0xb: {  	[smem:$0x3FAD] =	sst s3  }
0xc: {  	[smem:$0x3FAE] =	sst s4  }
0xd: {  	[smem:$0x3FAF] =	sst s5  }
0xe: {  	[smem:$0x3FB0] =	sst s6  }
0xf: {  	[smem:$0x3FB1] =	sst s7  }
0x10: {  	[smem:$0x3FB2] =	sst s8  }
0x11: {  	[smem:$0x3FB3] =	sst s9;
	s0 =	simm.s32 @!p0 $0x0  }
0x12: {  	s1 =	sld [smem:$0x3F99];
	s0 =	simm.s32 @p0 $0x1  }
0x13: {  	[smem:$0x3FB4] =	sst s0;
	s0 =	simm.s32 @!p1 $0x0  }
0x14: {  	s2 =	sld [smem:$0x3F98];
	s0 =	simm.s32 @p1 $0x1  }
0x15: {  	[smem:$0x3FB5] =	sst s0;
	s0 =	simm.s32 @!p2 $0x0  }
0x16: {  	s3 =	sld [smem:$0x3FDB];
	s0 =	simm.s32 @p2 $0x1  }
0x17: {  	s4 =	simm.s32 $0x1BF5;
	[smem:$0x3FB7] =	sst s0  }
0x18: {  	s0 =	sld [smem:$0x3F9A];
	_ =	swait.ge [sflag:s4], $0x0  }
0x19: {  	s7 =	sld [smem:$0x3F9B]  }
0x1a: {  	s8 =	sadd.s32 $0xFFFFE003, lr  }
0x1b: {  	s9 =	sadd.s32 $0xFFFFFEF7, lr;
	s5 =	simm.s32 $0xFFFFFFFF;
	p2 =	slt.u32 s8, $0xFFFFF086  }
0x1c: {  	p1 =	slt.u32 s9, $0xF7A;
	s5 =	simm.s32 @!p2 $0x0  }
0x1d: {  	s5 =	simm.s32 @p1 $0x1;
	p0 =	seq.s32 s7, s2  }
0x1e: {  	s7 =	smul.u32 @!p0 $0xF7A, s2;
	p2 =	seq.s32 @!p0 s5, $0x0  }
0x1f: {  	s9 =	smul.u32 $0xF7A, s1;
	s8 =	simm.s32 @!p0 $0x1BF5;
	p2 =	por !p2, p0  }
0x20: {  	[sflag:s8] =	ssyncset.s32 @!p0 $0xFFFFF086;
	s6 =	sadd.s32 @!p0 s3, s7;
	s7 =	simm.s32 @!p0 $0x108  }
0x21: {  	s3 =	sadd.s32 s3, s9;
	s6 =	sadd.s32 @!p0 $0x88, s6;
	s7 =	simm.s32 @p2 $0x1082  }
0x22: {  	[simem:s7], [sflag:s8] =	dma.local @!p0 [hbm:s6], $0xF7A  }
0x23: {  	s9 =	sor.u32 $0xD0000000, s2;
	s6 =	simm.s32 $0x108;
	_ =	swait.ge @!p0 [sflag:s8], $0x0  }
0x24: {  	s3 =	sadd.s32 $0x88, s3;
	s6 =	simm.s32 @!p1 $0x1082;
	[sflag:s4] =	ssyncset.s32 $0xFFFFF086  }
0x25: {  	[simem:s6], [sflag:s4] =	dma.local [hbm:s3], $0xF7A  }
0x26: {  	[smem:$0x3F9B] =	sst s1;
	(tag) =	ssettag s2;
	_ =	strace s9  }
0x27: {  	s1 =	sld [smem:$0x3FAB]  }
0x28: {  	s2 =	sld [smem:$0x3FAC]  }
0x29: {  	s4 =	sld [smem:$0x3FAE]  }
0x2a: {  	p0 =	seq.s32 s5, $0x0;
	s5 =	sld [smem:$0x3FAF]  }
0x2b: {  	s6 =	sld [smem:$0x3FB0]  }
0x2c: {  	s7 =	sld [smem:$0x3FB1]  }
0x2d: {  	s3 =	simm.s32 $0x108;
	s8 =	sld [smem:$0x3FB2]  }
0x2e: {  	s3 =	simm.s32 @!p0 $0x1082;
	s9 =	sld [smem:$0x3FB3]  }
0x2f: {  	lr =	sadd.s32 s0, s3;
	s0 =	sld [smem:$0x3FAA]  }
0x30: {  	s3 =	sld [smem:$0x3FAD]  }
0x31: {  	[smem:$0x3FB6] =	sst s10  }
0x32: {  	s10 =	sld [smem:$0x3FB4];
	_ =	sdelay $0x3  }
0x33: {  	p0 =	seq.s32 s10, $0x1;
	s10 =	sld [smem:$0x3FB6];
	_ =	sdelay $0x3  }
0x34: {  	[smem:$0x3FB6] =	sst s10  }
0x35: {  	s10 =	sld [smem:$0x3FB5];
	_ =	sdelay $0x3  }
0x36: {  	p1 =	seq.s32 s10, $0x1;
	s10 =	sld [smem:$0x3FB6];
	_ =	sdelay $0x3  }
0x37: {  	[smem:$0x3FB6] =	sst s10  }
0x38: {  	s10 =	sld [smem:$0x3FB7]  }
0x39: {  	_ = 	snop;
	(pc) =	sbr.ind lr, $3  }
0x3a: {  	_ = 	snop  }
0x3b: {  	_ = 	snop  }
0x3c: {  	p2 =	seq.s32 s10, $0x1;
	s10 =	sld [smem:$0x3FB6]  }
0x3d: {  	_ =	shalt  }
0x3e: {  	_ =	shalt  }
0x3f: {  	_ =	shalt  }
0x40: {  	_ =	shalt  }
0x41: {  	_ =	shalt  }
0x42: {  	_ =	shalt  }
0x43: {  	_ =	shalt  }
0x44: {  	_ =	shalt  }
0x45: {  	_ =	shalt  }
0x46: {  	_ =	shalt  }
0x47: {  	_ =	shalt  }
0x48: {  	_ =	shalt  }
0x49: {  	_ =	shalt  }
0x4a: {  	_ =	shalt  }
0x4b: {  	_ =	shalt  }
0x4c: {  	_ =	shalt  }
0x4d: {  	_ =	shalt  }
0x4e: {  	_ =	shalt  }
0x4f: {  	_ =	shalt  }
0x50: {  	_ =	shalt  }
0x51: {  	_ =	shalt  }
0x52: {  	_ =	shalt  }
0x53: {  	_ =	shalt  }
0x54: {  	_ =	shalt  }
0x55: {  	_ =	shalt  }
0x56: {  	_ =	shalt  }
0x57: {  	_ =	shalt  }
0x58: {  	_ =	shalt  }
0x59: {  	_ =	shalt  }
0x5a: {  	_ =	shalt  }
0x5b: {  	_ =	shalt  }
0x5c: {  	_ =	shalt  }
0x5d: {  	_ =	shalt  }
0x5e: {  	_ =	shalt  }
0x5f: {  	_ =	shalt  }
0x60: {  	_ =	shalt  }
0x61: {  	_ =	shalt  }
0x62: {  	_ =	shalt  }
0x63: {  	_ =	shalt  }
0x64: {  	_ =	shalt  }
0x65: {  	_ =	shalt  }
0x66: {  	_ =	shalt  }
0x67: {  	_ =	shalt  }
0x68: {  	_ =	shalt  }
0x69: {  	_ =	shalt  }
0x6a: {  	_ =	shalt  }
0x6b: {  	_ =	shalt  }
0x6c: {  	_ =	shalt  }
0x6d: {  	_ =	shalt  }
0x6e: {  	_ =	shalt  }
0x6f: {  	_ =	shalt  }
0x70: {  	_ =	shalt  }
0x71: {  	_ =	shalt  }
0x72: {  	_ =	shalt  }
0x73: {  	_ =	shalt  }
0x74: {  	_ =	shalt  }
0x75: {  	_ =	shalt  }
0x76: {  	_ =	shalt  }
0x77: {  	_ =	shalt  }
0x78: {  	_ =	shalt  }
0x79: {  	_ =	shalt  }
0x7a: {  	_ =	shalt  }
0x7b: {  	_ =	shalt  }
0x7c: {  	_ =	shalt  }
0x7d: {  	_ =	shalt  }
0x7e: {  	_ =	shalt  }
0x7f: {  	_ =	shalt  }
0x80: {  	_ =	shalt  }
0x81: {  	_ =	shalt  }
0x82: {  	_ =	shalt  }
0x83: {  	_ =	shalt  }
0x84: {  	_ =	shalt  }
0x85: {  	_ =	shalt  }
0x86: {  	_ =	shalt  }
0x87: {  	_ =	shalt  }
.Lfunc_end0:
.L_simem_size_0:
called_computation_lowered:
.L_overlay_start_0:
0x88: {  	s2 =	sld [smem:$0x3FD9]  }
0x89: {  	s3 =	sld [smem:$0x3FFE];
	_ =	sdelay $0x1  }
0x8a: {  	s1 =	srdreg.scid  }
0x8b: {  	s0 =	sand.u32 $0x1, s1  }
0x8c: {  	s17 =	sshll.u32 s0, $0xA;
	s2 =	sadd.s32 s3, s2  }
0x8d: {  	s2 =	sadd.s32 s2, s17  }
0x8e: {  	[smem:$0x3FC2] =	sst s2  }
0x8f: {  	_ = 	snop  }
0x90: {  	s2 =	sld [smem:$0x3FC9]  }
0x91: {  	s18 =	sld [smem:$0x3FC8]  }
0x92: {  	s4 =	sld [smem:$0x3FD0];
	(tm) =	ssettm $0x1  }
0x93: {  	s5 =	sld [smem:$0x3FFB];
	_ =	sdelay $0x3  }
0x94: {  	_ =	strace s5  }
0x95: {  	s5 =	sld [smem:$0x3FFC];
	_ =	sdelay $0x3  }
0x96: {  	_ =	strace s5  }
0x97: {  	s5 =	sld [smem:$0x3FFD];
	_ =	sdelay $0x3  }
0x98: {  	_ =	strace s5  }
0x99: {  	_ =	strace $0x8FFFFFFF  }
0x9a: {  	s19 =	sld [smem:$0x3FDB];
	_ =	sdelay $0x1  }
0x9b: {  	s6 =	simm.s32 $_scs_section_size  }
0x9c: {  	s7 =	simm.s32 $_size__tile_overlayer_lowered;
	s8 =	simm.s32 $_tile_overlayer_lowered  }
0x9d: {  	s22 =	simm.s32 $0x1BFF;
	s21 =	sshll.u32 s8, $0x1;
	s5 =	sadd.s32 s6, s19  }
0x9e: {  	s9 =	simm.s32 $0x0;
	s20 =	sshll.u32 s7, $0x1;
	s7 =	sadd.s32 s21, s5  }
0x9f: {  	[timem:s9], [sflag:s22] =	dma.local [hbm:s7], s20  }
0xa0: {  	_ =	swait.ge [sflag:s22], s20  }
0xa1: {  	s6 =	ssub.s32 $0x0, s20;
	[sflag:s22] =	ssyncset.done $0x0  }
0xa2: {  	[sflag:s22] =	ssyncadd.s32 s6;
	_ =	sdelay $0x1  }
0xa3: {  	s23 =	simm.s32 $0x1B8B  }
0xa4: {  	_ =	swait.ge [sflag:s23], $0x1  }
0xa5: {  	[sflag:s23] =	ssyncset.done $0x0  }
0xa6: {  	s25 =	simm.s32 $0x1B8E;
	s24 =	sld [smem:$0x3FFE];
	[sflag:s23] =	ssyncadd.s32 $0xFFFFFFFF  }
0xa7: {  	s26 =	simm.s32 $execute0_lowered;
	[smem:$0x3FD2] =	sst s25  }
0xa8: {  	s7 =	sshll.u32 s26, $0x1;
	_ =	strace $0x80000046;
	[dreg:$0x1] =	wrdreg $0xFFFFFFFF  }
0xa9: {  	s28 =	simm.s32 $_size_execute0_lowered;
	s5 =	sadd.s32 s5, s7;
	[dreg:$0x0] =	wrdreg $0x0  }
0xaa: {  	s7 =	sshll.u32 s28, $0x1;
	[dreg:$0x2] =	wrdreg s5  }
0xab: {  	[dreg:$0x3] =	wrdreg s7  }
0xac: {  	[dreg:$0x4] =	wrdreg $0xC0  }
0xad: {  	_ =	task [dreg:s9], $0x5FFFF  }
0xae: {  	[dreg:$0x1] =	wrdreg $0xFFFFFFFF  }
0xaf: {  	[dreg:$0x0] =	wrdreg $0x60  }
0xb0: {  	[dreg:$0x2] =	wrdreg s2  }
0xb1: {  	[dreg:$0x3] =	wrdreg s18  }
0xb2: {  	[dreg:$0x4] =	wrdreg s4  }
0xb3: {  	[dreg:$0x5] =	wrdreg s24  }
0xb4: {  	[dreg:$0x6] =	wrdreg $0x9  }
0xb5: {  	_ =	task.clear_ibuf [dreg:s9], $0x7FFFF;
	_ =	strace $0x90000046  }
0xb6: {  	s29 =	simm.s32 $0x9;
	_ =	strace $0x80000048  }
0xb7: {  	_ =	swait.ge [sflag:s29], $0x1  }
0xb8: {  	[sflag:s29] =	ssyncadd.s32 $0xFFFFFFFF  }
0xb9: {  	_ =	strace $0x90000048  }
0xba: {  	_ =	sfence  }
0xbb: {  	s30 =	sld [smem:$0x0];
	_ =	sdelay $0x2  }
0xbc: {  	s31 =	sshll.u32 s1, $0xD;
	s1 =	sshrl.u32 s1, $0x2  }
0xbd: {  	s3 =	sand.u32 $0x4000, s31;
	s1 =	sadd.s32 s1, s30  }
0xbe: {  	s0 =	sor.u32 s3, s0;
	s1 =	sshll.u32 s1, $0x11  }
0xbf: {  	s0 =	sor.u32 s1, s0  }
0xc0: {  	s0 =	sadd.s32 $0x8F2B, s0  }
0xc1: {  	[sflag:s0] =	ssyncadd.remote.s32 $0x1  }
0xc2: {  	_ =	sfence.sel $0xFFFF  }
0xc3: {  	[dreg:$0x0] =	wrdreg $0xFFFFFFFF;
	(pc) =	sbr.abs _section_cstart, $3  }
0xc4: {  	[dreg:$0x1] =	wrdreg $0xFFFFFFFF  }
0xc5: {  	_ =	task.clear_ibuf [dreg:s9], $0x2FFFF;
	_ =	strace $0x9FFFFFFF  }
0xc6: {  	(tm) =	ssettm $0x7FFFFFFF  }
0xc7: {  	_ =	shalt  }
tec
execute0_lowered:
.L_overlay_start_1:
0x0: {  	(tag) =	ssettag $0x1  }
0x1: {  	s3 =	rddreg [dreg:$0x0]  }
0x2: {  	s6 =	rddreg [dreg:$0x1]  }
0x3: {  	s4 =	rddreg [dreg:$0x2]  }
0x4: {  	s12 =	rddreg [dreg:$0x3];
	s2 =	srdreg.scid  }
0x5: {  	s0 =	rddreg [dreg:$0x4];
	s1 =	stileid.u32;
	s13 =	sand.u32 $0x1, s2  }
0x6: {  	s2 =	simm.s32 $0x0;
	s5 =	sshll.u32 s1, $0x5;
	s7 =	sshll.u32 s13, $0x4  }
0x7: {  	[smem:$0x7FF] =	sst s2;
	s14 =	sor.u32 s7, s5  }
0x8: {  	_ =	strace $0x80000047;
	s5 =	sadd.s32 s3, s14;
	s3 =	simm.s32 $0x2  }
0x9: {  	[tilespmem:s2], [sflag:$0x2] =	stream.linear.gather [hbm4b:s5+s2], $0x80, $0x38;
	[tilespmem:$0x580] =	vst v63  }
0xa: {  	_ =	swait.ge [sflag:s3], $0x80  }
0xb: {  	[sflag:s3] =	ssyncset.done $0x0  }
0xc: {  	s7 =	simm.s32 $0x80;
	s6 =	sadd.s32 s6, s14;
	[sflag:s3] =	ssyncadd.s32 $0xFFFFFF80  }
0xd: {  	[tilespmem:s7], [sflag:$0x2] =	stream.linear.gather [hbm4b:s6+s2], $0x80, $0x38;
	[tilespmem:$0x580] =	vst v63  }
0xe: {  	_ =	swait.ge [sflag:s3], $0x80  }
0xf: {  	[sflag:s3] =	ssyncset.done $0x0  }
0x10: {  	[sflag:s3] =	ssyncadd.s32 $0xFFFFFF80  }
0x11: {  	v0 =	vld [tilespmem:$0xD0]  }
0x12: {  	v1 =	vld [tilespmem:$0x50]  }
0x13: {  	v2 =	vld [tilespmem:$0x30]  }
0x14: {  	v4 =	vld [tilespmem:$0x20]  }
0x15: {  	v3 =	vld [tilespmem:$0xB0]  }
0x16: {  	v5 =	vld [tilespmem:$0x0];
	v0 =	vadd.s32 $0x186A0, v0  }
0x17: {  	v6 =	vld [tilespmem:$0x40];
	v1 =	vadd.s32 $0x186A0, v1;
	[tilespmem:$0x1D0] =	vst v0  }
0x18: {  	v2 =	vadd.s32 $0x186A0, v2;
	v0 =	vld [tilespmem:$0xE0];
	[tilespmem:$0x150] =	vst v1  }
0x19: {  	v4 =	vadd.s32 $0x186A0, v4;
	v1 =	vld [tilespmem:$0x10];
	[tilespmem:$0x130] =	vst v2  }
0x1a: {  	v2 =	vadd.s32 $0x186A0, v3;
	v3 =	vld [tilespmem:$0x90];
	[tilespmem:$0x120] =	vst v4  }
0x1b: {  	v5 =	vadd.s32 $0x186A0, v5;
	[tilespmem:$0x1B0] =	vst v2;
	v2 =	vld [tilespmem:$0xC0]  }
0x1c: {  	v61 =	vld [tilespmem:$0x60];
	v6 =	vadd.s32 $0x186A0, v6;
	[tilespmem:$0x100] =	vst v5  }
0x1d: {  	v62 =	vld [tilespmem:$0xA0];
	[tilespmem:$0x140] =	vst v6;
	v0 =	vadd.s32 $0x186A0, v0  }
0x1e: {  	v63 =	vld [tilespmem:$0x80];
	v1 =	vadd.s32 $0x186A0, v1;
	[tilespmem:$0x1E0] =	vst v0  }
0x1f: {  	v0 =	vadd.s32 $0x186A0, v3;
	[tilespmem:$0x110] =	vst v1;
	v1 =	vld [tilespmem:$0x70]  }
0x20: {  	v3 =	vld [tilespmem:$0xF0];
	v2 =	vadd.s32 $0x186A0, v2;
	[tilespmem:$0x190] =	vst v0  }
0x21: {  	v0 =	vadd.s32 $0x186A0, v61;
	[tilespmem:$0x1C0] =	vst v2  }
0x22: {  	v2 =	vadd.s32 $0x186A0, v62;
	[tilespmem:$0x160] =	vst v0  }
0x23: {  	v0 =	vadd.s32 $0x186A0, v63;
	[tilespmem:$0x1A0] =	vst v2  }
0x24: {  	[tilespmem:$0x180] =	vst v0;
	v0 =	vadd.s32 $0x186A0, v1  }
0x25: {  	v1 =	vadd.s32 $0x186A0, v3;
	[tilespmem:$0x170] =	vst v0  }
0x26: {  	s10 =	simm.s32 $0x200;
	[tilespmem:$0x1F0] =	vst v1  }
0x27: {  	[tilespmem:s10], [sflag:$0x1] =	stream.indirect.gather [hbm4b:s4+s7], $0x1, s2, s7, $0xb8;
	[tilespmem:$0x580] =	vst v63  }
0x28: {  	s18 =	simm.s32 $0x100;
	s11 =	simm.s32 $0x280  }
0x29: {  	[tilespmem:s11], [sflag:$0x1] =	stream.indirect.gather [hbm4b:s4+s7], $0x1, s18, s7, $0xb8;
	[tilespmem:$0x580] =	vst v63  }
0x2a: {  	s9 =	simm.s32 $0x300;
	s19 =	sadd.s32 $0x6C00, s12  }
0x2b: {  	[tilespmem:s9], [sflag:$0x1] =	stream.indirect.gather [hbm4b:s19+s7], $0x1, s7, s7, $0xb8;
	[tilespmem:$0x580] =	vst v63  }
0x2c: {  	s20 =	simm.s32 $0x180;
	s8 =	simm.s32 $0x380  }
0x2d: {  	[tilespmem:s8], [sflag:$0x1] =	stream.indirect.gather [hbm4b:s19+s7], $0x1, s20, s7, $0xb8;
	[tilespmem:$0x580] =	vst v63  }
0x2e: {  	s22 =	simm.s32 $0x400;
	s21 =	sadd.s32 $0x800, s12  }
0x2f: {  	[tilespmem:s22], [sflag:$0x1] =	stream.indirect.gather [hbm4b:s21+s7], $0x1, s2, s7, $0xb8;
	[tilespmem:$0x580] =	vst v63  }
0x30: {  	s24 =	simm.s32 $0x480;
	s25 =	simm.s32 $0x1;
	s23 =	sadd.s32 $0x3A00, s12  }
0x31: {  	[tilespmem:s24], [sflag:$0x1] =	stream.indirect.gather [hbm4b:s23+s7], $0x1, s7, s7, $0xb8;
	[tilespmem:$0x580] =	vst v63  }
0x32: {  	_ =	swait.ge [sflag:s25], $0x80  }
0x33: {  	[sflag:s25] =	ssyncset.done $0x0  }
0x34: {  	[sflag:s25] =	ssyncadd.s32 $0xFFFFFF80  }
0x35: {  	_ =	swait.ge [sflag:s25], $0x80  }
0x36: {  	[sflag:s25] =	ssyncset.done $0x0  }
0x37: {  	[sflag:s25] =	ssyncadd.s32 $0xFFFFFF80  }
0x38: {  	_ =	swait.ge [sflag:s25], $0x80  }
0x39: {  	[sflag:s25] =	ssyncset.done $0x0  }
0x3a: {  	[sflag:s25] =	ssyncadd.s32 $0xFFFFFF80  }
0x3b: {  	_ =	swait.ge [sflag:s25], $0x80  }
0x3c: {  	s13 =	ssub.s32 $0x2, s13;
	[sflag:s25] =	ssyncset.done $0x0  }
0x3d: {  	s31 =	sshrl.u32 s13, $0x1;
	[sflag:s25] =	ssyncadd.s32 $0xFFFFFF80  }
0x3e: {  	s13 =	ssub.s32 s13, s31;
	_ =	swait.ge [sflag:s25], $0x80  }
0x3f: {  	s12 =	sadd.s32 s14, s12;
	s14 =	smax.u32 s13, $0x1;
	[sflag:s25] =	ssyncset.done $0x0  }
0x40: {  	p0 =	sne.s32 s14, $0x1;
	[sflag:s25] =	ssyncadd.s32 $0xFFFFFF80  }
.Ltmp0:
0x41: {  	_ =	swait.ge [sflag:s25], $0x80;
	(pc) =	sbr.rel @!p0 .LBB2_2-.Ltmp0, $4  }
0x42: {  	[sflag:s25] =	ssyncset.done $0x0  }
0x43: {  	s17 =	sadd.s32 $0xCE00, s12;
	[sflag:s25] =	ssyncadd.s32 $0xFFFFFF80  }
0x44: {  	s16 =	sadd.s32 $0xD000, s12;
	s15 =	sadd.s32 $0xD400, s12;
	s13 =	sadd.s32 $0xD600, s12;
	v0 =	vld [tilespmem:$0x400]  }
0x45: {  	s12 =	sadd.s32 $0xD200, s12;
	s26 =	sadd.s32 $0xFFFFFFFF, s14;
	s14 =	simm.s32 $0x500;
	v1 =	vld [tilespmem:$0x4E0]  }
.LBB2_1:
0x46: {  	p0 =	sne.s32 s26, $0x1;
	s26 =	sadd.s32 $0xFFFFFFFF, s26;
	v2 =	vld [tilespmem:$0x460]  }
0x47: {  	v3 =	vld [tilespmem:$0x4A0]  }
0x48: {  	v4 =	vld [tilespmem:$0x4D0]  }
0x49: {  	v5 =	vld [tilespmem:$0x420]  }
0x4a: {  	v6 =	vld [tilespmem:$0x490]  }
0x4b: {  	v7 =	vld [tilespmem:$0x450]  }
0x4c: {  	v8 =	vld [tilespmem:$0x430]  }
0x4d: {  	v9 =	vld [tilespmem:$0x480]  }
0x4e: {  	v3 =	vadd.f32 v3, v5;
	v5 =	vld [tilespmem:$0x4B0]  }
0x4f: {  	v10 =	vld [tilespmem:$0x440]  }
0x50: {  	v3 =	vadd.f32 $3.500000000e+00, v3;
	v11 =	vld [tilespmem:$0x4C0]  }
0x51: {  	v12 =	vld [tilespmem:$0x470]  }
0x52: {  	v0 =	vadd.f32 v9, v0;
	[tilespmem:$0x520] =	vst v3;
	v3 =	vadd.f32 v4, v7;
	v4 =	vld [tilespmem:$0x4F0]  }
0x53: {  	v1 =	vadd.f32 v1, v2;
	v7 =	vld [tilespmem:$0x410];
	v5 =	vadd.f32 v5, v8  }
0x54: {  	v2 =	vadd.f32 $3.500000000e+00, v3  }
0x55: {  	v1 =	vadd.f32 $3.500000000e+00, v1;
	v3 =	vadd.f32 v11, v10  }
0x56: {  	v0 =	vadd.f32 $3.500000000e+00, v0;
	[tilespmem:$0x550] =	vst v2  }
0x57: {  	v2 =	vadd.f32 $3.500000000e+00, v3;
	[tilespmem:$0x560] =	vst v1;
	v1 =	vadd.f32 v4, v12  }
0x58: {  	v3 =	vadd.f32 $3.500000000e+00, v5;
	[tilespmem:$0x500] =	vst v0;
	v0 =	vadd.f32 v6, v7  }
0x59: {  	[tilespmem:$0x540] =	vst v2;
	v1 =	vadd.f32 $3.500000000e+00, v1  }
0x5a: {  	v0 =	vadd.f32 $3.500000000e+00, v0;
	[tilespmem:$0x530] =	vst v3  }
0x5b: {  	[tilespmem:$0x570] =	vst v1  }
0x5c: {  	[tilespmem:$0x510] =	vst v0  }
0x5d: {  	[hbm4b:s17+s2] =	stream.linear.scatter [tilespmem:s10], [sflag:$0x2], $0x80, $0x38;
	[tilespmem:$0x580] =	vst v63  }
0x5e: {  	_ =	swait.ge [sflag:s3], $0x80  }
0x5f: {  	[sflag:s3] =	ssyncset.done $0x0  }
0x60: {  	[sflag:s3] =	ssyncadd.s32 $0xFFFFFF80  }
0x61: {  	[hbm4b:s16+s2] =	stream.linear.scatter [tilespmem:s11], [sflag:$0x2], $0x80, $0x38;
	[tilespmem:$0x580] =	vst v63  }
0x62: {  	_ =	swait.ge [sflag:s3], $0x80  }
0x63: {  	[sflag:s3] =	ssyncset.done $0x0  }
0x64: {  	[sflag:s3] =	ssyncadd.s32 $0xFFFFFF80  }
0x65: {  	[hbm4b:s15+s2] =	stream.linear.scatter [tilespmem:s9], [sflag:$0x2], $0x80, $0x38;
	[tilespmem:$0x580] =	vst v63  }
0x66: {  	_ =	swait.ge [sflag:s3], $0x80  }
0x67: {  	[sflag:s3] =	ssyncset.done $0x0  }
0x68: {  	[sflag:s3] =	ssyncadd.s32 $0xFFFFFF80  }
0x69: {  	[hbm4b:s13+s2] =	stream.linear.scatter [tilespmem:s8], [sflag:$0x2], $0x80, $0x38;
	[tilespmem:$0x580] =	vst v63  }
0x6a: {  	_ =	swait.ge [sflag:s3], $0x80  }
0x6b: {  	[sflag:s3] =	ssyncset.done $0x0  }
0x6c: {  	[sflag:s3] =	ssyncadd.s32 $0xFFFFFF80  }
0x6d: {  	[hbm4b:s12+s2] =	stream.linear.scatter [tilespmem:s14], [sflag:$0x2], $0x80, $0x38;
	[tilespmem:$0x580] =	vst v63  }
0x6e: {  	_ =	swait.ge [sflag:s3], $0x80  }
0x6f: {  	[sflag:s3] =	ssyncset.done $0x0  }
0x70: {  	[sflag:s3] =	ssyncadd.s32 $0xFFFFFF80  }
0x71: {  	[tilespmem:s2], [sflag:$0x2] =	stream.linear.gather [hbm4b:s5+s2], $0x80, $0x38;
	[tilespmem:$0x580] =	vst v63  }
0x72: {  	_ =	swait.ge [sflag:s3], $0x80  }
0x73: {  	[sflag:s3] =	ssyncset.done $0x0  }
0x74: {  	[sflag:s3] =	ssyncadd.s32 $0xFFFFFF80  }
0x75: {  	[tilespmem:s7], [sflag:$0x2] =	stream.linear.gather [hbm4b:s6+s2], $0x80, $0x38;
	[tilespmem:$0x580] =	vst v63  }
0x76: {  	_ =	swait.ge [sflag:s3], $0x80  }
0x77: {  	[sflag:s3] =	ssyncset.done $0x0  }
0x78: {  	[sflag:s3] =	ssyncadd.s32 $0xFFFFFF80  }
0x79: {  	v0 =	vld [tilespmem:$0x60]  }
0x7a: {  	v1 =	vld [tilespmem:$0x40]  }
0x7b: {  	v2 =	vld [tilespmem:$0x50]  }
0x7c: {  	v3 =	vld [tilespmem:$0xD0]  }
0x7d: {  	v4 =	vld [tilespmem:$0x10]  }
0x7e: {  	v5 =	vld [tilespmem:$0xB0]  }
0x7f: {  	v6 =	vld [tilespmem:$0x30]  }
0x80: {  	v7 =	vld [tilespmem:$0x20]  }
0x81: {  	v8 =	vld [tilespmem:$0x0];
	v3 =	vadd.s32 $0x186A0, v3  }
0x82: {  	v2 =	vadd.s32 $0x186A0, v2;
	v9 =	vld [tilespmem:$0xE0]  }
0x83: {  	v1 =	vadd.s32 $0x186A0, v1;
	v10 =	vld [tilespmem:$0x90];
	[tilespmem:$0x1D0] =	vst v3  }
0x84: {  	v0 =	vadd.s32 $0x186A0, v0;
	v3 =	vadd.s32 $0x186A0, v6;
	[tilespmem:$0x150] =	vst v2;
	v2 =	vld [tilespmem:$0xF0]  }
0x85: {  	[tilespmem:$0x130] =	vst v3;
	v3 =	vadd.s32 $0x186A0, v5  }
0x86: {  	v5 =	vadd.s32 $0x186A0, v7;
	[tilespmem:$0x1B0] =	vst v3;
	v3 =	vld [tilespmem:$0xC0]  }
0x87: {  	v6 =	vadd.s32 $0x186A0, v8;
	[tilespmem:$0x120] =	vst v5;
	v5 =	vld [tilespmem:$0xA0];
	v7 =	vadd.s32 $0x186A0, v9  }
0x88: {  	v4 =	vadd.s32 $0x186A0, v4;
	[tilespmem:$0x100] =	vst v6;
	v6 =	vld [tilespmem:$0x80];
	v8 =	vadd.s32 $0x186A0, v10  }
0x89: {  	[tilespmem:$0x140] =	vst v1;
	v1 =	vadd.s32 $0x186A0, v2  }
0x8a: {  	[tilespmem:$0x1E0] =	vst v7  }
0x8b: {  	[tilespmem:$0x110] =	vst v4;
	v2 =	vadd.s32 $0x186A0, v3;
	v3 =	vld [tilespmem:$0x70]  }
0x8c: {  	[tilespmem:$0x190] =	vst v8;
	v4 =	vadd.s32 $0x186A0, v5  }
0x8d: {  	v5 =	vadd.s32 $0x186A0, v6;
	[tilespmem:$0x1C0] =	vst v2  }
0x8e: {  	[tilespmem:$0x160] =	vst v0  }
0x8f: {  	[tilespmem:$0x1A0] =	vst v4  }
0x90: {  	[tilespmem:$0x180] =	vst v5;
	v0 =	vadd.s32 $0x186A0, v3  }
0x91: {  	[tilespmem:$0x170] =	vst v0  }
0x92: {  	[tilespmem:$0x1F0] =	vst v1  }
0x93: {  	[tilespmem:s10], [sflag:$0x1] =	stream.indirect.gather [hbm4b:s4+s7], $0x1, s2, s7, $0xb8;
	[tilespmem:$0x580] =	vst v63  }
0x94: {  	_ = 	snop  }
0x95: {  	[tilespmem:s11], [sflag:$0x1] =	stream.indirect.gather [hbm4b:s4+s7], $0x1, s18, s7, $0xb8;
	[tilespmem:$0x580] =	vst v63  }
0x96: {  	_ = 	snop  }
0x97: {  	[tilespmem:s9], [sflag:$0x1] =	stream.indirect.gather [hbm4b:s19+s7], $0x1, s7, s7, $0xb8;
	[tilespmem:$0x580] =	vst v63  }
0x98: {  	_ = 	snop  }
0x99: {  	[tilespmem:s8], [sflag:$0x1] =	stream.indirect.gather [hbm4b:s19+s7], $0x1, s20, s7, $0xb8;
	[tilespmem:$0x580] =	vst v63  }
0x9a: {  	_ = 	snop  }
0x9b: {  	[tilespmem:s22], [sflag:$0x1] =	stream.indirect.gather [hbm4b:s21+s7], $0x1, s2, s7, $0xb8;
	[tilespmem:$0x580] =	vst v63  }
0x9c: {  	_ = 	snop  }
0x9d: {  	[tilespmem:s24], [sflag:$0x1] =	stream.indirect.gather [hbm4b:s23+s7], $0x1, s7, s7, $0xb8;
	[tilespmem:$0x580] =	vst v63  }
0x9e: {  	_ =	swait.ge [sflag:s25], $0x80  }
0x9f: {  	[sflag:s25] =	ssyncset.done $0x0  }
0xa0: {  	[sflag:s25] =	ssyncadd.s32 $0xFFFFFF80  }
0xa1: {  	_ =	swait.ge [sflag:s25], $0x80  }
0xa2: {  	[sflag:s25] =	ssyncset.done $0x0  }
0xa3: {  	[sflag:s25] =	ssyncadd.s32 $0xFFFFFF80  }
0xa4: {  	_ =	swait.ge [sflag:s25], $0x80  }
0xa5: {  	[sflag:s25] =	ssyncset.done $0x0  }
0xa6: {  	[sflag:s25] =	ssyncadd.s32 $0xFFFFFF80  }
0xa7: {  	_ =	swait.ge [sflag:s25], $0x80  }
0xa8: {  	[sflag:s25] =	ssyncset.done $0x0  }
0xa9: {  	[sflag:s25] =	ssyncadd.s32 $0xFFFFFF80  }
0xaa: {  	_ =	swait.ge [sflag:s25], $0x80  }
0xab: {  	[sflag:s25] =	ssyncset.done $0x0  }
0xac: {  	[sflag:s25] =	ssyncadd.s32 $0xFFFFFF80  }
.Ltmp1:
0xad: {  	_ =	swait.ge [sflag:s25], $0x80;
	(pc) =	sbr.rel @p0 .LBB2_1-.Ltmp1, $4  }
0xae: {  	[sflag:s25] =	ssyncset.done $0x0  }
0xaf: {  	[sflag:s25] =	ssyncadd.s32 $0xFFFFFF80  }
0xb0: {  	v0 =	vld [tilespmem:$0x400]  }
0xb1: {  	v1 =	vld [tilespmem:$0x4E0]  }
.LBB2_2:
0xb2: {  	v2 =	vld [tilespmem:$0x460]  }
0xb3: {  	v3 =	vld [tilespmem:$0x4A0]  }
0xb4: {  	v4 =	vld [tilespmem:$0x4D0]  }
0xb5: {  	v5 =	vld [tilespmem:$0x420]  }
0xb6: {  	v6 =	vld [tilespmem:$0x490]  }
0xb7: {  	v7 =	vld [tilespmem:$0x450]  }
0xb8: {  	v8 =	vld [tilespmem:$0x430]  }
0xb9: {  	v9 =	vld [tilespmem:$0x480]  }
0xba: {  	v10 =	vld [tilespmem:$0x4B0]  }
0xbb: {  	v11 =	vld [tilespmem:$0x440]  }
0xbc: {  	v12 =	vld [tilespmem:$0x4C0]  }
0xbd: {  	v57 =	vld [tilespmem:$0x470];
	v3 =	vadd.f32 v3, v5  }
0xbe: {  	v58 =	vld [tilespmem:$0x4F0];
	v4 =	vadd.f32 v4, v7  }
0xbf: {  	v59 =	vld [tilespmem:$0x410];
	v1 =	vadd.f32 v1, v2;
	v3 =	vadd.f32 $3.500000000e+00, v3  }
0xc0: {  	v0 =	vadd.f32 v9, v0;
	v4 =	vadd.f32 $3.500000000e+00, v4  }
0xc1: {  	v8 =	vadd.f32 v10, v8;
	v1 =	vadd.f32 $3.500000000e+00, v1;
	[tilespmem:$0x520] =	vst v3  }
0xc2: {  	v60 =	vadd.f32 v12, v11;
	v0 =	vadd.f32 $3.500000000e+00, v0;
	[tilespmem:$0x550] =	vst v4  }
0xc3: {  	v61 =	vadd.f32 v58, v57;
	v63 =	vadd.f32 $3.500000000e+00, v8;
	[tilespmem:$0x560] =	vst v1  }
0xc4: {  	v62 =	vadd.f32 v6, v59;
	v3 =	vadd.f32 $3.500000000e+00, v60;
	[tilespmem:$0x500] =	vst v0  }
0xc5: {  	v1 =	vadd.f32 $3.500000000e+00, v61;
	[tilespmem:$0x530] =	vst v63  }
0xc6: {  	v0 =	vadd.f32 $3.500000000e+00, v62;
	[tilespmem:$0x540] =	vst v3  }
0xc7: {  	[tilespmem:$0x570] =	vst v1  }
0xc8: {  	[tilespmem:$0x510] =	vst v0  }
0xc9: {  	[hbm4b:s17+s2] =	stream.linear.scatter [tilespmem:s10], [sflag:$0x2], $0x80, $0x38;
	[tilespmem:$0x580] =	vst v63  }
0xca: {  	_ =	swait.ge [sflag:s3], $0x80  }
0xcb: {  	[sflag:s3] =	ssyncset.done $0x0  }
0xcc: {  	[sflag:s3] =	ssyncadd.s32 $0xFFFFFF80  }
0xcd: {  	[hbm4b:s16+s2] =	stream.linear.scatter [tilespmem:s11], [sflag:$0x2], $0x80, $0x38;
	[tilespmem:$0x580] =	vst v63  }
0xce: {  	_ =	swait.ge [sflag:s3], $0x80  }
0xcf: {  	[sflag:s3] =	ssyncset.done $0x0  }
0xd0: {  	[sflag:s3] =	ssyncadd.s32 $0xFFFFFF80  }
0xd1: {  	[hbm4b:s15+s2] =	stream.linear.scatter [tilespmem:s9], [sflag:$0x2], $0x80, $0x38;
	[tilespmem:$0x580] =	vst v63  }
0xd2: {  	_ =	swait.ge [sflag:s3], $0x80  }
0xd3: {  	[sflag:s3] =	ssyncset.done $0x0  }
0xd4: {  	[sflag:s3] =	ssyncadd.s32 $0xFFFFFF80  }
0xd5: {  	[hbm4b:s13+s2] =	stream.linear.scatter [tilespmem:s8], [sflag:$0x2], $0x80, $0x38;
	[tilespmem:$0x580] =	vst v63  }
0xd6: {  	_ =	swait.ge [sflag:s3], $0x80  }
0xd7: {  	[sflag:s3] =	ssyncset.done $0x0  }
0xd8: {  	[sflag:s3] =	ssyncadd.s32 $0xFFFFFF80  }
0xd9: {  	[hbm4b:s12+s2] =	stream.linear.scatter [tilespmem:s14], [sflag:$0x2], $0x80, $0x38;
	[tilespmem:$0x580] =	vst v63  }
0xda: {  	_ =	swait.ge [sflag:s3], $0x80  }
0xdb: {  	[sflag:s3] =	ssyncset.done $0x0  }
0xdc: {  	[sflag:s3] =	ssyncadd.s32 $0xFFFFFF80  }
0xdd: {  	_ =	sfence.sel $0x180000  }
0xde: {  	[bflag:$0x0] =	sbarrier.arrive $0xFFFF  }
0xdf: {  	p0 =	sne.s32 s1, $0x0;
	_ =	strace $0x90000047  }
0xe0: {  	s0 =	sadd.s32 @!p0 $0x100000, s0;
	[bflag:$0x2] =	sbarrier.arrive $0xFFFF  }
0xe1: {  	[sflag:s0] =	ssyncadd.tile.s32 @!p0 $0x1;
	_ =	shalt  }
.Lfunc_end2:
_tile_overlayer_lowered:
.L_overlay_start_2:
0xe2: {  	(tag) =	ssettag $0x2  }
0xe3: {  	s0 =	rddreg [dreg:$0x0];
	s2 =	stileid.u32  }
0xe4: {  	s1 =	rddreg [dreg:$0x1];
	p0 =	sne.s32 s2, $0x0  }
0xe5: {  	s3 =	rddreg [dreg:$0x2];
	[bflag:$0x3] =	sbarrier.arrive $0xFFFF;
	s2 =	simm.s32 @!p0 $0x1C02  }
0xe6: {  	[timem:s3], [sflag:s2] =	dma.local @!p0 [hbm:s0], s1  }
0xe7: {  	s0 =	simm.s32 @!p0 $0x2  }
0xe8: {  	_ =	swait.ge @!p0 [sflag:s0], s1  }
0xe9: {  	s1 =	ssub.s32 @!p0 $0x0, s1;
	[sflag:s0] =	ssyncset.done @!p0 $0x0  }
0xea: {  	[sflag:s0] =	ssyncadd.s32 @!p0 s1  }
0xeb: {  	[bflag:$0x3] =	sbarrier.arrive $0xFFFF  }
0xec: {  	_ =	shalt  }

</sc_bundles>
